<compile_context>
chip_gen: v7x
topology: tpu7x:2x2x1
jax: 0.10.2.dev20260603
libtpu: 0.0.44.dev20260713+nightly
codegen_flags: <defaults>
</compile_context>

<pallas_src>
import jax
import jax.numpy as jnp
from jax import lax
from jax.experimental import pallas as pl
from jax.experimental.pallas import tpu as pltpu
from jax.experimental.pallas import tpu_sc as plsc

B = 4
H = W = 192
C = 96
OH = OW = 384
HW = H * W
OHW = OH * OW
CG = 4
NG = C // CG
NPAIR = NG // 2
NC = 2
NS = 16
NSUB = 2
ROWS_PER_TILE = HW // NS
NVEC = ROWS_PER_TILE // 2
SVEC = NVEC // NSUB
NELS = SVEC * 16
ACC_WORDS = OHW * CG
ACC2 = 2 * ACC_WORDS
STRIPE = ACC2 // NS
BRT = 1024


def _scatter_kernel(upd_hbm, msk_hbm, zer_hbm, perm_hbm, valb0_v, mskb0_v,
                    valb1_v, mskb1_v, vals_v, idx_v, acc_sh, gsem, zsem):
  c = lax.axis_index("c")
  s = lax.axis_index("s")

  iot = lax.iota(jnp.int32, 16)
  f_off = (iot & 3) * OHW + (lax.shift_right_logical(iot, 2) & 1) * ACC_WORDS

  w2 = s * STRIPE

  def do_pair(b, bb, q):
    ch0 = q * 8

    zdesc = pltpu.async_copy(zer_hbm.at[pl.ds(w2, STRIPE)],
                             acc_sh.at[pl.ds(w2, STRIPE)], zsem)

    q0 = s * NVEC
    descs = []
    for sub, (mskb_v, valb_v) in enumerate(((mskb0_v, valb0_v),
                                            (mskb1_v, valb1_v))):
      qs = q0 + sub * SVEC
      for src, dst in (
          (msk_hbm.at[b, pl.ds(qs, SVEC), 0, pl.ds(ch0, 8)],
           mskb_v.at[:, pl.ds(0, 8)]),
          (msk_hbm.at[b, pl.ds(qs, SVEC), 1, pl.ds(ch0, 8)],
           mskb_v.at[:, pl.ds(8, 8)]),
          (upd_hbm.at[b, pl.ds(qs, SVEC), 0, pl.ds(ch0, 8)],
           valb_v.at[:, pl.ds(0, 8)]),
          (upd_hbm.at[b, pl.ds(qs, SVEC), 1, pl.ds(ch0, 8)],
           valb_v.at[:, pl.ds(8, 8)])):
        descs.append(pltpu.async_copy(src, dst, gsem))

    for sub, (mskb_v, valb_v) in enumerate(((mskb0_v, valb0_v),
                                            (mskb1_v, valb1_v))):
      for d in descs[4 * sub:4 * sub + 4]:
        d.wait()

      def _decode(i, _):
        m = mskb_v[i]
        t = lax.shift_right_logical(m, 12)
        y = lax.shift_right_logical(t * 7282, 16)
        r = m - ((y << 15) + (y << 12))
        t2 = lax.shift_right_logical(r, 5)
        x = lax.shift_right_logical(t2 * 21846, 16)
        idx_v[pl.ds(i * 16, 16)] = f_off + (y << 8) + (y << 7) + x
        vals_v[pl.ds(i * 16, 16)] = valb_v[i]
        return _
      lax.fori_loop(0, SVEC, _decode, None)

      if sub == 0:
        zdesc.wait()
        plsc.subcore_barrier()

      pltpu.sync_copy(vals_v, acc_sh.at[idx_v], add=True)

    plsc.subcore_barrier()
    plsc.subcore_barrier()

    pair_base = ((b * NG + 2 * q) * ACC_WORDS)
    pltpu.sync_copy(acc_sh.at[pl.ds(w2, STRIPE)],
                    perm_hbm.at[pl.ds(pair_base + w2, STRIPE)])

  for bb in range(B // NC):
    b = c * (B // NC) + bb
    def _qloop(q, _):
      do_pair(b, bb, q)
      return _
    lax.fori_loop(0, NPAIR, _qloop, None)


def _interleave_body(perm_ref, out_ref):
  out_ref[...] = jnp.transpose(perm_ref[...], (0, 2, 1))


@jax.jit
def kernel(updates, mask):
  msk4 = mask.astype(jnp.int32).reshape(B, HW // 2, 2, C)
  upd4 = updates.reshape(B, HW // 2, 2, C)

  mesh = plsc.VectorSubcoreMesh(core_axis_name="c", subcore_axis_name="s")
  params = pltpu.CompilerParams(use_tc_tiling_on_sc=False)
  scatter_fn = pl.kernel(
      _scatter_kernel,
      out_type=jax.ShapeDtypeStruct((B * C * OHW,), jnp.float32),
      mesh=mesh,
      compiler_params=params,
      scratch_types=[
          pltpu.VMEM((SVEC, 16), jnp.float32),
          pltpu.VMEM((SVEC, 16), jnp.int32),
          pltpu.VMEM((SVEC, 16), jnp.float32),
          pltpu.VMEM((SVEC, 16), jnp.int32),
          pltpu.VMEM((NELS,), jnp.float32),
          pltpu.VMEM((NELS,), jnp.int32),
          pltpu.VMEM_SHARED((ACC2,), jnp.float32),
          pltpu.SemaphoreType.DMA,
          pltpu.SemaphoreType.DMA,
      ],
  )
  zer1 = jnp.zeros((ACC2,), jnp.float32)
  perm = scatter_fn(upd4, msk4, zer1)

  out = pl.pallas_call(
      _interleave_body,
      out_shape=jax.ShapeDtypeStruct((B, OHW, C), jnp.float32),
      grid=(B, OHW // BRT),
      in_specs=[pl.BlockSpec((1, C, BRT), lambda b, r: (b, 0, r))],
      out_specs=pl.BlockSpec((1, BRT, C), lambda b, r: (b, r, 0)),
  )(perm.reshape(B, C, OHW))
  return out.reshape(B, OH, OW, C)

# --- scband reference (transcript-rebuilt; emitter-appended) ---
"""Pipeline reference for scband-max-unpool2-d-16750372454918 (READ-ONLY COPY).

The authoritative reference and input builder live on the scoring server;
editing this copy changes nothing except your own understanding.
"""

import jax, jax.numpy as jnp
import numpy as np

KSIZE = (2, 2)


def setup_inputs(seed: int = 0) -> dict:
    key = jax.random.key(seed)
    k1, k2 = jax.random.split(key)
    B, H, W, C = 4, 192, 192, 96
    OH, OW = H * KSIZE[0], W * KSIZE[1]
    updates = jax.random.normal(k1, (B, H, W, C), dtype=jnp.float32)
    # mask mimics argmax flat indices (per-batch flat index into [OH, OW, C])
    mask = jax.random.randint(k2, (B, H, W, C), 0, OH * OW * C, dtype=jnp.int32).astype(jnp.int64)
    return {"updates": updates, "mask": mask}


def reference(updates, mask):
    mask = mask.astype(jnp.int32)
    B, H, W, C = updates.shape
    OH, OW = H * KSIZE[0], W * KSIZE[1]
    one_like_mask = jnp.ones_like(mask, dtype=jnp.int32)
    batch_range = jnp.arange(B, dtype=jnp.int32).reshape(B, 1, 1, 1)
    b = one_like_mask * batch_range
    y = mask // (OW * C)
    x = (mask // C) % OW
    feature_range = jnp.arange(C, dtype=jnp.int32)
    f = one_like_mask * feature_range
    # tf.scatter_nd accumulates duplicate indices -> use .at[].add
    flat_idx = ((b * OH + y) * OW + x) * C + f
    values = updates.reshape(-1)
    out = jnp.zeros((B * OH * OW * C,), dtype=updates.dtype)
    out = out.at[flat_idx.reshape(-1)].add(values)
    return out.reshape(B, OH, OW, C)

if __name__ == "__main__":
    import jax
    _d = setup_inputs()
    print(jax.jit(kernel)(*tuple(_d.values())))

</pallas_src>

<mosaic_0001>
#map = affine_map<(d0, d1) -> (0, 0, 0, 0)>
#map1 = affine_map<(d0, d1) -> (0)>
module attributes {stable_mosaic.version = 14 : i64} {
  func.func @_scatter_kernel(%arg0: i32, %arg1: i32, %arg2: memref<4x18432x2x96xf32, #tpu.memory_space<hbm>>, %arg3: memref<4x18432x2x96xi32, #tpu.memory_space<hbm>>, %arg4: memref<1179648xf32, #tpu.memory_space<hbm>>, %arg5: memref<56623104xf32, #tpu.memory_space<hbm>>, %arg6: memref<576x16xf32, #tpu.memory_space<vmem>>, %arg7: memref<576x16xi32, #tpu.memory_space<vmem>>, %arg8: memref<576x16xf32, #tpu.memory_space<vmem>>, %arg9: memref<576x16xi32, #tpu.memory_space<vmem>>, %arg10: memref<9216xf32, #tpu.memory_space<vmem>>, %arg11: memref<9216xi32, #tpu.memory_space<vmem>>, %arg12: memref<1179648xf32, #tpu.memory_space<vmem_shared>>, %arg13: memref<!tpu.dma_semaphore, #tpu.memory_space<semaphore_mem>>, %arg14: memref<!tpu.dma_semaphore, #tpu.memory_space<semaphore_mem>>) attributes {dimension_semantics = [#tpu.dimension_semantics<core_parallel>, #tpu.dimension_semantics<subcore_parallel>], iteration_bounds = array<i64: 2, 16>, scalar_prefetch = 0 : i64, scratch_operands = 9 : i64, tpu.core_type = #tpu.core_type<sc_vector_subcore>, window_params = [{transform_indices = #map}, {transform_indices = #map}, {transform_indices = #map1}, {transform_indices = #map1}]} {
    %iota3A = tpu.iota {dimensions = array<i32: 0>} : vector<16xi32>
    %and3A = arith.constant 3 : i32
    %and3A_0 = vector.broadcast %and3A : i32 to vector<16xi32>
    %and3A_1 = arith.andi %iota3A, %and3A_0 : vector<16xi32>
    %mul3A = arith.constant 147456 : i32
    %mul3A_2 = vector.broadcast %mul3A : i32 to vector<16xi32>
    %mul3A_3 = arith.muli %and3A_1, %mul3A_2 : vector<16xi32>
    %shift_right_logical3A = arith.constant 2 : i32
    %shift_right_logical3A_4 = vector.broadcast %shift_right_logical3A : i32 to vector<16xi32>
    %shift_right_logical3A_5 = arith.shrui %iota3A, %shift_right_logical3A_4 : vector<16xi32>
    %and3A_6 = arith.constant 1 : i32
    %and3A_7 = vector.broadcast %and3A_6 : i32 to vector<16xi32>
    %and3A_8 = arith.andi %shift_right_logical3A_5, %and3A_7 : vector<16xi32>
    %mul3A_9 = arith.constant 589824 : i32
    %mul3A_10 = vector.broadcast %mul3A_9 : i32 to vector<16xi32>
    %mul3A_11 = arith.muli %and3A_8, %mul3A_10 : vector<16xi32>
    %add3A = arith.addi %mul3A_3, %mul3A_11 : vector<16xi32>
    %mul3A_12 = arith.constant 73728 : i32
    %mul3A_13 = arith.muli %arg1, %mul3A_12 : i32
    %mul3A_14 = arith.constant 2 : i32
    %mul3A_15 = arith.muli %arg0, %mul3A_14 : i32
    %add3A_16 = arith.constant 0 : i32
    %add3A_17 = arith.addi %mul3A_15, %add3A_16 : i32
    %scan3A = arith.constant 0 : i32
    %scan3A_18 = arith.constant 12 : i32
    %scan3A_19 = arith.addi %scan3A, %scan3A_18 : i32
    %scan3A_20 = arith.constant 1 : i32
    scf.for %scan3A_31 = %scan3A to %scan3A_19 step %scan3A_20  : i32 {
      %mul3A_32 = arith.constant 8 : i32
      %mul3A_33 = arith.muli %scan3A_31, %mul3A_32 : i32
      %dma_start3A = tpu.memref_slice %arg12[%mul3A_13] : memref<1179648xf32, #tpu.memory_space<vmem_shared>> -> memref<73728xf32, #tpu.memory_space<vmem_shared>>
      %dma_start3A_34 = tpu.memref_slice %arg4[%mul3A_13] : memref<1179648xf32, #tpu.memory_space<hbm>> -> memref<73728xf32, #tpu.memory_space<hbm>>
      tpu.enqueue_dma source(%dma_start3A_34 : memref<73728xf32, #tpu.memory_space<hbm>>) target(%dma_start3A : memref<73728xf32, #tpu.memory_space<vmem_shared>>) target_semaphore(%arg14 : memref<!tpu.dma_semaphore, #tpu.memory_space<semaphore_mem>>)
      %mul3A_35 = arith.constant 1152 : i32
      %mul3A_36 = arith.muli %arg1, %mul3A_35 : i32
      %add3A_37 = arith.constant 0 : i32
      %add3A_38 = arith.addi %mul3A_36, %add3A_37 : i32
      %dma_start3A_39 = arith.constant 0 : i32
      %dma_start3A_40 = arith.constant 0 : i32
      %dma_start3A_41 = arith.constant 0 : i32
      %dma_start3A_42 = tpu.memref_slice %arg7[%dma_start3A_40, %dma_start3A_41] : memref<576x16xi32, #tpu.memory_space<vmem>> -> memref<576x8xi32, #tpu.memory_space<vmem>>
      %dma_start3A_43 = tpu.memref_slice %arg3[%add3A_17, %add3A_38, %dma_start3A_39, %mul3A_33] : memref<4x18432x2x96xi32, #tpu.memory_space<hbm>> -> memref<1x576x1x8xi32, #tpu.memory_space<hbm>>
      %dma_start3A_44 = tpu.memref_squeeze %dma_start3A_43 : memref<1x576x1x8xi32, #tpu.memory_space<hbm>> -> memref<576x8xi32, #tpu.memory_space<hbm>>
      %dma_start3A_45 = arith.constant 0 : i32
      %dma_start3A_46 = arith.constant 0 : i32
      %dma_start3A_47 = tpu.memref_slice %arg7[%dma_start3A_45, %dma_start3A_46] : memref<576x16xi32, #tpu.memory_space<vmem>> -> memref<576x8xi32, #tpu.memory_space<vmem>>
      %dma_start3A_48 = tpu.memref_slice %arg3[%add3A_17, %add3A_38, %dma_start3A_39, %mul3A_33] : memref<4x18432x2x96xi32, #tpu.memory_space<hbm>> -> memref<1x576x1x8xi32, #tpu.memory_space<hbm>>
      %dma_start3A_49 = tpu.memref_squeeze %dma_start3A_48 : memref<1x576x1x8xi32, #tpu.memory_space<hbm>> -> memref<576x8xi32, #tpu.memory_space<hbm>>
      tpu.enqueue_dma source(%dma_start3A_49 : memref<576x8xi32, #tpu.memory_space<hbm>>) target(%dma_start3A_47 : memref<576x8xi32, #tpu.memory_space<vmem>>) target_semaphore(%arg13 : memref<!tpu.dma_semaphore, #tpu.memory_space<semaphore_mem>>)
      %dma_start3A_50 = arith.constant 1 : i32
      %dma_start3A_51 = arith.constant 0 : i32
      %dma_start3A_52 = arith.constant 8 : i32
      %dma_start3A_53 = tpu.memref_slice %arg7[%dma_start3A_51, %dma_start3A_52] : memref<576x16xi32, #tpu.memory_space<vmem>> -> memref<576x8xi32, #tpu.memory_space<vmem>>
      %dma_start3A_54 = tpu.memref_slice %arg3[%add3A_17, %add3A_38, %dma_start3A_50, %mul3A_33] : memref<4x18432x2x96xi32, #tpu.memory_space<hbm>> -> memref<1x576x1x8xi32, #tpu.memory_space<hbm>>
      %dma_start3A_55 = tpu.memref_squeeze %dma_start3A_54 : memref<1x576x1x8xi32, #tpu.memory_space<hbm>> -> memref<576x8xi32, #tpu.memory_space<hbm>>
      %dma_start3A_56 = arith.constant 0 : i32
      %dma_start3A_57 = arith.constant 8 : i32
      %dma_start3A_58 = tpu.memref_slice %arg7[%dma_start3A_56, %dma_start3A_57] : memref<576x16xi32, #tpu.memory_space<vmem>> -> memref<576x8xi32, #tpu.memory_space<vmem>>
      %dma_start3A_59 = tpu.memref_slice %arg3[%add3A_17, %add3A_38, %dma_start3A_50, %mul3A_33] : memref<4x18432x2x96xi32, #tpu.memory_space<hbm>> -> memref<1x576x1x8xi32, #tpu.memory_space<hbm>>
      %dma_start3A_60 = tpu.memref_squeeze %dma_start3A_59 : memref<1x576x1x8xi32, #tpu.memory_space<hbm>> -> memref<576x8xi32, #tpu.memory_space<hbm>>
      tpu.enqueue_dma source(%dma_start3A_60 : memref<576x8xi32, #tpu.memory_space<hbm>>) target(%dma_start3A_58 : memref<576x8xi32, #tpu.memory_space<vmem>>) target_semaphore(%arg13 : memref<!tpu.dma_semaphore, #tpu.memory_space<semaphore_mem>>)
      %dma_start3A_61 = arith.constant 0 : i32
      %dma_start3A_62 = arith.constant 0 : i32
      %dma_start3A_63 = arith.constant 0 : i32
      %dma_start3A_64 = tpu.memref_slice %arg6[%dma_start3A_62, %dma_start3A_63] : memref<576x16xf32, #tpu.memory_space<vmem>> -> memref<576x8xf32, #tpu.memory_space<vmem>>
      %dma_start3A_65 = tpu.memref_slice %arg2[%add3A_17, %add3A_38, %dma_start3A_61, %mul3A_33] : memref<4x18432x2x96xf32, #tpu.memory_space<hbm>> -> memref<1x576x1x8xf32, #tpu.memory_space<hbm>>
      %dma_start3A_66 = tpu.memref_squeeze %dma_start3A_65 : memref<1x576x1x8xf32, #tpu.memory_space<hbm>> -> memref<576x8xf32, #tpu.memory_space<hbm>>
      %dma_start3A_67 = arith.constant 0 : i32
      %dma_start3A_68 = arith.constant 0 : i32
      %dma_start3A_69 = tpu.memref_slice %arg6[%dma_start3A_67, %dma_start3A_68] : memref<576x16xf32, #tpu.memory_space<vmem>> -> memref<576x8xf32, #tpu.memory_space<vmem>>
      %dma_start3A_70 = tpu.memref_slice %arg2[%add3A_17, %add3A_38, %dma_start3A_61, %mul3A_33] : memref<4x18432x2x96xf32, #tpu.memory_space<hbm>> -> memref<1x576x1x8xf32, #tpu.memory_space<hbm>>
      %dma_start3A_71 = tpu.memref_squeeze %dma_start3A_70 : memref<1x576x1x8xf32, #tpu.memory_space<hbm>> -> memref<576x8xf32, #tpu.memory_space<hbm>>
      tpu.enqueue_dma source(%dma_start3A_71 : memref<576x8xf32, #tpu.memory_space<hbm>>) target(%dma_start3A_69 : memref<576x8xf32, #tpu.memory_space<vmem>>) target_semaphore(%arg13 : memref<!tpu.dma_semaphore, #tpu.memory_space<semaphore_mem>>)
      %dma_start3A_72 = arith.constant 1 : i32
      %dma_start3A_73 = arith.constant 0 : i32
      %dma_start3A_74 = arith.constant 8 : i32
      %dma_start3A_75 = tpu.memref_slice %arg6[%dma_start3A_73, %dma_start3A_74] : memref<576x16xf32, #tpu.memory_space<vmem>> -> memref<576x8xf32, #tpu.memory_space<vmem>>
      %dma_start3A_76 = tpu.memref_slice %arg2[%add3A_17, %add3A_38, %dma_start3A_72, %mul3A_33] : memref<4x18432x2x96xf32, #tpu.memory_space<hbm>> -> memref<1x576x1x8xf32, #tpu.memory_space<hbm>>
      %dma_start3A_77 = tpu.memref_squeeze %dma_start3A_76 : memref<1x576x1x8xf32, #tpu.memory_space<hbm>> -> memref<576x8xf32, #tpu.memory_space<hbm>>
      %dma_start3A_78 = arith.constant 0 : i32
      %dma_start3A_79 = arith.constant 8 : i32
      %dma_start3A_80 = tpu.memref_slice %arg6[%dma_start3A_78, %dma_start3A_79] : memref<576x16xf32, #tpu.memory_space<vmem>> -> memref<576x8xf32, #tpu.memory_space<vmem>>
      %dma_start3A_81 = tpu.memref_slice %arg2[%add3A_17, %add3A_38, %dma_start3A_72, %mul3A_33] : memref<4x18432x2x96xf32, #tpu.memory_space<hbm>> -> memref<1x576x1x8xf32, #tpu.memory_space<hbm>>
      %dma_start3A_82 = tpu.memref_squeeze %dma_start3A_81 : memref<1x576x1x8xf32, #tpu.memory_space<hbm>> -> memref<576x8xf32, #tpu.memory_space<hbm>>
      tpu.enqueue_dma source(%dma_start3A_82 : memref<576x8xf32, #tpu.memory_space<hbm>>) target(%dma_start3A_80 : memref<576x8xf32, #tpu.memory_space<vmem>>) target_semaphore(%arg13 : memref<!tpu.dma_semaphore, #tpu.memory_space<semaphore_mem>>)
      %add3A_83 = arith.constant 576 : i32
      %add3A_84 = arith.addi %mul3A_36, %add3A_83 : i32
      %dma_start3A_85 = arith.constant 0 : i32
      %dma_start3A_86 = arith.constant 0 : i32
      %dma_start3A_87 = arith.constant 0 : i32
      %dma_start3A_88 = tpu.memref_slice %arg9[%dma_start3A_86, %dma_start3A_87] : memref<576x16xi32, #tpu.memory_space<vmem>> -> memref<576x8xi32, #tpu.memory_space<vmem>>
      %dma_start3A_89 = tpu.memref_slice %arg3[%add3A_17, %add3A_84, %dma_start3A_85, %mul3A_33] : memref<4x18432x2x96xi32, #tpu.memory_space<hbm>> -> memref<1x576x1x8xi32, #tpu.memory_space<hbm>>
      %dma_start3A_90 = tpu.memref_squeeze %dma_start3A_89 : memref<1x576x1x8xi32, #tpu.memory_space<hbm>> -> memref<576x8xi32, #tpu.memory_space<hbm>>
      %dma_start3A_91 = arith.constant 0 : i32
      %dma_start3A_92 = arith.constant 0 : i32
      %dma_start3A_93 = tpu.memref_slice %arg9[%dma_start3A_91, %dma_start3A_92] : memref<576x16xi32, #tpu.memory_space<vmem>> -> memref<576x8xi32, #tpu.memory_space<vmem>>
      %dma_start3A_94 = tpu.memref_slice %arg3[%add3A_17, %add3A_84, %dma_start3A_85, %mul3A_33] : memref<4x18432x2x96xi32, #tpu.memory_space<hbm>> -> memref<1x576x1x8xi32, #tpu.memory_space<hbm>>
      %dma_start3A_95 = tpu.memref_squeeze %dma_start3A_94 : memref<1x576x1x8xi32, #tpu.memory_space<hbm>> -> memref<576x8xi32, #tpu.memory_space<hbm>>
      tpu.enqueue_dma source(%dma_start3A_95 : memref<576x8xi32, #tpu.memory_space<hbm>>) target(%dma_start3A_93 : memref<576x8xi32, #tpu.memory_space<vmem>>) target_semaphore(%arg13 : memref<!tpu.dma_semaphore, #tpu.memory_space<semaphore_mem>>)
      %dma_start3A_96 = arith.constant 1 : i32
      %dma_start3A_97 = arith.constant 0 : i32
      %dma_start3A_98 = arith.constant 8 : i32
      %dma_start3A_99 = tpu.memref_slice %arg9[%dma_start3A_97, %dma_start3A_98] : memref<576x16xi32, #tpu.memory_space<vmem>> -> memref<576x8xi32, #tpu.memory_space<vmem>>
      %dma_start3A_100 = tpu.memref_slice %arg3[%add3A_17, %add3A_84, %dma_start3A_96, %mul3A_33] : memref<4x18432x2x96xi32, #tpu.memory_space<hbm>> -> memref<1x576x1x8xi32, #tpu.memory_space<hbm>>
      %dma_start3A_101 = tpu.memref_squeeze %dma_start3A_100 : memref<1x576x1x8xi32, #tpu.memory_space<hbm>> -> memref<576x8xi32, #tpu.memory_space<hbm>>
      %dma_start3A_102 = arith.constant 0 : i32
      %dma_start3A_103 = arith.constant 8 : i32
      %dma_start3A_104 = tpu.memref_slice %arg9[%dma_start3A_102, %dma_start3A_103] : memref<576x16xi32, #tpu.memory_space<vmem>> -> memref<576x8xi32, #tpu.memory_space<vmem>>
      %dma_start3A_105 = tpu.memref_slice %arg3[%add3A_17, %add3A_84, %dma_start3A_96, %mul3A_33] : memref<4x18432x2x96xi32, #tpu.memory_space<hbm>> -> memref<1x576x1x8xi32, #tpu.memory_space<hbm>>
      %dma_start3A_106 = tpu.memref_squeeze %dma_start3A_105 : memref<1x576x1x8xi32, #tpu.memory_space<hbm>> -> memref<576x8xi32, #tpu.memory_space<hbm>>
      tpu.enqueue_dma source(%dma_start3A_106 : memref<576x8xi32, #tpu.memory_space<hbm>>) target(%dma_start3A_104 : memref<576x8xi32, #tpu.memory_space<vmem>>) target_semaphore(%arg13 : memref<!tpu.dma_semaphore, #tpu.memory_space<semaphore_mem>>)
      %dma_start3A_107 = arith.constant 0 : i32
      %dma_start3A_108 = arith.constant 0 : i32
      %dma_start3A_109 = arith.constant 0 : i32
      %dma_start3A_110 = tpu.memref_slice %arg8[%dma_start3A_108, %dma_start3A_109] : memref<576x16xf32, #tpu.memory_space<vmem>> -> memref<576x8xf32, #tpu.memory_space<vmem>>
      %dma_start3A_111 = tpu.memref_slice %arg2[%add3A_17, %add3A_84, %dma_start3A_107, %mul3A_33] : memref<4x18432x2x96xf32, #tpu.memory_space<hbm>> -> memref<1x576x1x8xf32, #tpu.memory_space<hbm>>
      %dma_start3A_112 = tpu.memref_squeeze %dma_start3A_111 : memref<1x576x1x8xf32, #tpu.memory_space<hbm>> -> memref<576x8xf32, #tpu.memory_space<hbm>>
      %dma_start3A_113 = arith.constant 0 : i32
      %dma_start3A_114 = arith.constant 0 : i32
      %dma_start3A_115 = tpu.memref_slice %arg8[%dma_start3A_113, %dma_start3A_114] : memref<576x16xf32, #tpu.memory_space<vmem>> -> memref<576x8xf32, #tpu.memory_space<vmem>>
      %dma_start3A_116 = tpu.memref_slice %arg2[%add3A_17, %add3A_84, %dma_start3A_107, %mul3A_33] : memref<4x18432x2x96xf32, #tpu.memory_space<hbm>> -> memref<1x576x1x8xf32, #tpu.memory_space<hbm>>
      %dma_start3A_117 = tpu.memref_squeeze %dma_start3A_116 : memref<1x576x1x8xf32, #tpu.memory_space<hbm>> -> memref<576x8xf32, #tpu.memory_space<hbm>>
      tpu.enqueue_dma source(%dma_start3A_117 : memref<576x8xf32, #tpu.memory_space<hbm>>) target(%dma_start3A_115 : memref<576x8xf32, #tpu.memory_space<vmem>>) target_semaphore(%arg13 : memref<!tpu.dma_semaphore, #tpu.memory_space<semaphore_mem>>)
      %dma_start3A_118 = arith.constant 1 : i32
      %dma_start3A_119 = arith.constant 0 : i32
      %dma_start3A_120 = arith.constant 8 : i32
      %dma_start3A_121 = tpu.memref_slice %arg8[%dma_start3A_119, %dma_start3A_120] : memref<576x16xf32, #tpu.memory_space<vmem>> -> memref<576x8xf32, #tpu.memory_space<vmem>>
      %dma_start3A_122 = tpu.memref_slice %arg2[%add3A_17, %add3A_84, %dma_start3A_118, %mul3A_33] : memref<4x18432x2x96xf32, #tpu.memory_space<hbm>> -> memref<1x576x1x8xf32, #tpu.memory_space<hbm>>
      %dma_start3A_123 = tpu.memref_squeeze %dma_start3A_122 : memref<1x576x1x8xf32, #tpu.memory_space<hbm>> -> memref<576x8xf32, #tpu.memory_space<hbm>>
      %dma_start3A_124 = arith.constant 0 : i32
      %dma_start3A_125 = arith.constant 8 : i32
      %dma_start3A_126 = tpu.memref_slice %arg8[%dma_start3A_124, %dma_start3A_125] : memref<576x16xf32, #tpu.memory_space<vmem>> -> memref<576x8xf32, #tpu.memory_space<vmem>>
      %dma_start3A_127 = tpu.memref_slice %arg2[%add3A_17, %add3A_84, %dma_start3A_118, %mul3A_33] : memref<4x18432x2x96xf32, #tpu.memory_space<hbm>> -> memref<1x576x1x8xf32, #tpu.memory_space<hbm>>
      %dma_start3A_128 = tpu.memref_squeeze %dma_start3A_127 : memref<1x576x1x8xf32, #tpu.memory_space<hbm>> -> memref<576x8xf32, #tpu.memory_space<hbm>>
      tpu.enqueue_dma source(%dma_start3A_128 : memref<576x8xf32, #tpu.memory_space<hbm>>) target(%dma_start3A_126 : memref<576x8xf32, #tpu.memory_space<vmem>>) target_semaphore(%arg13 : memref<!tpu.dma_semaphore, #tpu.memory_space<semaphore_mem>>)
      %dma_wait3A = arith.constant 0 : i32
      %dma_wait3A_129 = arith.constant 0 : i32
      %dma_wait3A_130 = arith.constant 0 : i32
      %dma_wait3A_131 = tpu.memref_slice %arg7[%dma_wait3A_129, %dma_wait3A_130] : memref<576x16xi32, #tpu.memory_space<vmem>> -> memref<576x8xi32, #tpu.memory_space<vmem>>
      %dma_wait3A_132 = tpu.memref_slice %arg3[%add3A_17, %add3A_38, %dma_wait3A, %mul3A_33] : memref<4x18432x2x96xi32, #tpu.memory_space<hbm>> -> memref<1x576x1x8xi32, #tpu.memory_space<hbm>>
      %dma_wait3A_133 = tpu.memref_squeeze %dma_wait3A_132 : memref<1x576x1x8xi32, #tpu.memory_space<hbm>> -> memref<576x8xi32, #tpu.memory_space<hbm>>
      %dma_wait3A_134 = arith.constant 0 : i32
      %dma_wait3A_135 = arith.constant 0 : i32
      %dma_wait3A_136 = tpu.memref_slice %arg7[%dma_wait3A_134, %dma_wait3A_135] : memref<576x16xi32, #tpu.memory_space<vmem>> -> memref<576x8xi32, #tpu.memory_space<vmem>>
      %dma_wait3A_137 = tpu.memref_slice %arg3[%add3A_17, %add3A_38, %dma_wait3A, %mul3A_33] : memref<4x18432x2x96xi32, #tpu.memory_space<hbm>> -> memref<1x576x1x8xi32, #tpu.memory_space<hbm>>
      %dma_wait3A_138 = tpu.memref_squeeze %dma_wait3A_137 : memref<1x576x1x8xi32, #tpu.memory_space<hbm>> -> memref<576x8xi32, #tpu.memory_space<hbm>>
      tpu.wait_dma2 semaphore(%arg13 : memref<!tpu.dma_semaphore, #tpu.memory_space<semaphore_mem>>) src(%dma_wait3A_138 : memref<576x8xi32, #tpu.memory_space<hbm>>) dst(%dma_wait3A_136 : memref<576x8xi32, #tpu.memory_space<vmem>>)
      %dma_wait3A_139 = arith.constant 1 : i32
      %dma_wait3A_140 = arith.constant 0 : i32
      %dma_wait3A_141 = arith.constant 8 : i32
      %dma_wait3A_142 = tpu.memref_slice %arg7[%dma_wait3A_140, %dma_wait3A_141] : memref<576x16xi32, #tpu.memory_space<vmem>> -> memref<576x8xi32, #tpu.memory_space<vmem>>
      %dma_wait3A_143 = tpu.memref_slice %arg3[%add3A_17, %add3A_38, %dma_wait3A_139, %mul3A_33] : memref<4x18432x2x96xi32, #tpu.memory_space<hbm>> -> memref<1x576x1x8xi32, #tpu.memory_space<hbm>>
      %dma_wait3A_144 = tpu.memref_squeeze %dma_wait3A_143 : memref<1x576x1x8xi32, #tpu.memory_space<hbm>> -> memref<576x8xi32, #tpu.memory_space<hbm>>
      %dma_wait3A_145 = arith.constant 0 : i32
      %dma_wait3A_146 = arith.constant 8 : i32
      %dma_wait3A_147 = tpu.memref_slice %arg7[%dma_wait3A_145, %dma_wait3A_146] : memref<576x16xi32, #tpu.memory_space<vmem>> -> memref<576x8xi32, #tpu.memory_space<vmem>>
      %dma_wait3A_148 = tpu.memref_slice %arg3[%add3A_17, %add3A_38, %dma_wait3A_139, %mul3A_33] : memref<4x18432x2x96xi32, #tpu.memory_space<hbm>> -> memref<1x576x1x8xi32, #tpu.memory_space<hbm>>
      %dma_wait3A_149 = tpu.memref_squeeze %dma_wait3A_148 : memref<1x576x1x8xi32, #tpu.memory_space<hbm>> -> memref<576x8xi32, #tpu.memory_space<hbm>>
      tpu.wait_dma2 semaphore(%arg13 : memref<!tpu.dma_semaphore, #tpu.memory_space<semaphore_mem>>) src(%dma_wait3A_149 : memref<576x8xi32, #tpu.memory_space<hbm>>) dst(%dma_wait3A_147 : memref<576x8xi32, #tpu.memory_space<vmem>>)
      %dma_wait3A_150 = arith.constant 0 : i32
      %dma_wait3A_151 = arith.constant 0 : i32
      %dma_wait3A_152 = arith.constant 0 : i32
      %dma_wait3A_153 = tpu.memref_slice %arg6[%dma_wait3A_151, %dma_wait3A_152] : memref<576x16xf32, #tpu.memory_space<vmem>> -> memref<576x8xf32, #tpu.memory_space<vmem>>
      %dma_wait3A_154 = tpu.memref_slice %arg2[%add3A_17, %add3A_38, %dma_wait3A_150, %mul3A_33] : memref<4x18432x2x96xf32, #tpu.memory_space<hbm>> -> memref<1x576x1x8xf32, #tpu.memory_space<hbm>>
      %dma_wait3A_155 = tpu.memref_squeeze %dma_wait3A_154 : memref<1x576x1x8xf32, #tpu.memory_space<hbm>> -> memref<576x8xf32, #tpu.memory_space<hbm>>
      %dma_wait3A_156 = arith.constant 0 : i32
      %dma_wait3A_157 = arith.constant 0 : i32
      %dma_wait3A_158 = tpu.memref_slice %arg6[%dma_wait3A_156, %dma_wait3A_157] : memref<576x16xf32, #tpu.memory_space<vmem>> -> memref<576x8xf32, #tpu.memory_space<vmem>>
      %dma_wait3A_159 = tpu.memref_slice %arg2[%add3A_17, %add3A_38, %dma_wait3A_150, %mul3A_33] : memref<4x18432x2x96xf32, #tpu.memory_space<hbm>> -> memref<1x576x1x8xf32, #tpu.memory_space<hbm>>
      %dma_wait3A_160 = tpu.memref_squeeze %dma_wait3A_159 : memref<1x576x1x8xf32, #tpu.memory_space<hbm>> -> memref<576x8xf32, #tpu.memory_space<hbm>>
      tpu.wait_dma2 semaphore(%arg13 : memref<!tpu.dma_semaphore, #tpu.memory_space<semaphore_mem>>) src(%dma_wait3A_160 : memref<576x8xf32, #tpu.memory_space<hbm>>) dst(%dma_wait3A_158 : memref<576x8xf32, #tpu.memory_space<vmem>>)
      %dma_wait3A_161 = arith.constant 1 : i32
      %dma_wait3A_162 = arith.constant 0 : i32
      %dma_wait3A_163 = arith.constant 8 : i32
      %dma_wait3A_164 = tpu.memref_slice %arg6[%dma_wait3A_162, %dma_wait3A_163] : memref<576x16xf32, #tpu.memory_space<vmem>> -> memref<576x8xf32, #tpu.memory_space<vmem>>
      %dma_wait3A_165 = tpu.memref_slice %arg2[%add3A_17, %add3A_38, %dma_wait3A_161, %mul3A_33] : memref<4x18432x2x96xf32, #tpu.memory_space<hbm>> -> memref<1x576x1x8xf32, #tpu.memory_space<hbm>>
      %dma_wait3A_166 = tpu.memref_squeeze %dma_wait3A_165 : memref<1x576x1x8xf32, #tpu.memory_space<hbm>> -> memref<576x8xf32, #tpu.memory_space<hbm>>
      %dma_wait3A_167 = arith.constant 0 : i32
      %dma_wait3A_168 = arith.constant 8 : i32
      %dma_wait3A_169 = tpu.memref_slice %arg6[%dma_wait3A_167, %dma_wait3A_168] : memref<576x16xf32, #tpu.memory_space<vmem>> -> memref<576x8xf32, #tpu.memory_space<vmem>>
      %dma_wait3A_170 = tpu.memref_slice %arg2[%add3A_17, %add3A_38, %dma_wait3A_161, %mul3A_33] : memref<4x18432x2x96xf32, #tpu.memory_space<hbm>> -> memref<1x576x1x8xf32, #tpu.memory_space<hbm>>
      %dma_wait3A_171 = tpu.memref_squeeze %dma_wait3A_170 : memref<1x576x1x8xf32, #tpu.memory_space<hbm>> -> memref<576x8xf32, #tpu.memory_space<hbm>>
      tpu.wait_dma2 semaphore(%arg13 : memref<!tpu.dma_semaphore, #tpu.memory_space<semaphore_mem>>) src(%dma_wait3A_171 : memref<576x8xf32, #tpu.memory_space<hbm>>) dst(%dma_wait3A_169 : memref<576x8xf32, #tpu.memory_space<vmem>>)
      %scan3A_172 = arith.constant 0 : i32
      %scan3A_173 = arith.constant 576 : i32
      %scan3A_174 = arith.addi %scan3A_172, %scan3A_173 : i32
      %scan3A_175 = arith.constant 1 : i32
      scf.for %scan3A_238 = %scan3A_172 to %scan3A_174 step %scan3A_175  : i32 {
        %get3A = arith.index_cast %scan3A_238 : i32 to index
        %get3A_239 = arith.constant 0 : index
        %get3A_240 = tpu.vector_load %arg7[%get3A, %get3A_239] {strides = array<i32>} : memref<576x16xi32, #tpu.memory_space<vmem>>, vector<1x16xi32>,
        %get3A_241 = vector.shape_cast %get3A_240 : vector<1x16xi32> to vector<16xi32>
        %shift_right_logical3A_242 = arith.constant 12 : i32
        %shift_right_logical3A_243 = vector.broadcast %shift_right_logical3A_242 : i32 to vector<16xi32>
        %shift_right_logical3A_244 = arith.shrui %get3A_241, %shift_right_logical3A_243 : vector<16xi32>
        %mul3A_245 = arith.constant 7282 : i32
        %mul3A_246 = vector.broadcast %mul3A_245 : i32 to vector<16xi32>
        %mul3A_247 = arith.muli %shift_right_logical3A_244, %mul3A_246 : vector<16xi32>
        %shift_right_logical3A_248 = arith.constant 16 : i32
        %shift_right_logical3A_249 = vector.broadcast %shift_right_logical3A_248 : i32 to vector<16xi32>
        %shift_right_logical3A_250 = arith.shrui %mul3A_247, %shift_right_logical3A_249 : vector<16xi32>
        %shift_left3A = arith.constant 15 : i32
        %shift_left3A_251 = vector.broadcast %shift_left3A : i32 to vector<16xi32>
        %shift_left3A_252 = arith.shli %shift_right_logical3A_250, %shift_left3A_251 : vector<16xi32>
        %shift_left3A_253 = arith.constant 12 : i32
        %shift_left3A_254 = vector.broadcast %shift_left3A_253 : i32 to vector<16xi32>
        %shift_left3A_255 = arith.shli %shift_right_logical3A_250, %shift_left3A_254 : vector<16xi32>
        %add3A_256 = arith.addi %shift_left3A_252, %shift_left3A_255 : vector<16xi32>
        %sub3A = arith.subi %get3A_241, %add3A_256 : vector<16xi32>
        %shift_right_logical3A_257 = arith.constant 5 : i32
        %shift_right_logical3A_258 = vector.broadcast %shift_right_logical3A_257 : i32 to vector<16xi32>
        %shift_right_logical3A_259 = arith.shrui %sub3A, %shift_right_logical3A_258 : vector<16xi32>
        %mul3A_260 = arith.constant 21846 : i32
        %mul3A_261 = vector.broadcast %mul3A_260 : i32 to vector<16xi32>
        %mul3A_262 = arith.muli %shift_right_logical3A_259, %mul3A_261 : vector<16xi32>
        %shift_right_logical3A_263 = arith.constant 16 : i32
        %shift_right_logical3A_264 = vector.broadcast %shift_right_logical3A_263 : i32 to vector<16xi32>
        %shift_right_logical3A_265 = arith.shrui %mul3A_262, %shift_right_logical3A_264 : vector<16xi32>
        %shift_left3A_266 = arith.constant 8 : i32
        %shift_left3A_267 = vector.broadcast %shift_left3A_266 : i32 to vector<16xi32>
        %shift_left3A_268 = arith.shli %shift_right_logical3A_250, %shift_left3A_267 : vector<16xi32>
        %add3A_269 = arith.addi %add3A, %shift_left3A_268 : vector<16xi32>
        %shift_left3A_270 = arith.constant 7 : i32
        %shift_left3A_271 = vector.broadcast %shift_left3A_270 : i32 to vector<16xi32>
        %shift_left3A_272 = arith.shli %shift_right_logical3A_250, %shift_left3A_271 : vector<16xi32>
        %add3A_273 = arith.addi %add3A_269, %shift_left3A_272 : vector<16xi32>
        %add3A_274 = arith.addi %add3A_273, %shift_right_logical3A_265 : vector<16xi32>
        %mul3A_275 = arith.constant 16 : i32
        %mul3A_276 = arith.muli %scan3A_238, %mul3A_275 : i32
        %swap3A = arith.index_cast %mul3A_276 : i32 to index
        %swap3A_277 = tpu.vector_load %arg11[%swap3A] {strides = array<i32>} : memref<9216xi32, #tpu.memory_space<vmem>>, vector<16xi32>,
        %swap3A_278 = vector.shape_cast %swap3A_277 : vector<16xi32> to vector<16xi32>
        %swap3A_279 = vector.shape_cast %add3A_274 : vector<16xi32> to vector<16xi32>
        tpu.vector_store %arg11[%swap3A], %swap3A_279 {strides = array<i32>} : memref<9216xi32, #tpu.memory_space<vmem>>, vector<16xi32>,
        %get3A_280 = arith.index_cast %scan3A_238 : i32 to index
        %get3A_281 = arith.constant 0 : index
        %get3A_282 = tpu.vector_load %arg6[%get3A_280, %get3A_281] {strides = array<i32>} : memref<576x16xf32, #tpu.memory_space<vmem>>, vector<1x16xf32>,
        %get3A_283 = vector.shape_cast %get3A_282 : vector<1x16xf32> to vector<16xf32>
        %mul3A_284 = arith.constant 16 : i32
        %mul3A_285 = arith.muli %scan3A_238, %mul3A_284 : i32
        %swap3A_286 = arith.index_cast %mul3A_285 : i32 to index
        %swap3A_287 = tpu.vector_load %arg10[%swap3A_286] {strides = array<i32>} : memref<9216xf32, #tpu.memory_space<vmem>>, vector<16xf32>,
        %swap3A_288 = vector.shape_cast %swap3A_287 : vector<16xf32> to vector<16xf32>
        %swap3A_289 = vector.shape_cast %get3A_283 : vector<16xf32> to vector<16xf32>
        tpu.vector_store %arg10[%swap3A_286], %swap3A_289 {strides = array<i32>} : memref<9216xf32, #tpu.memory_space<vmem>>, vector<16xf32>,
      }
      %scan3A_176 = arith.constant 576 : i32
      %dma_wait3A_177 = tpu.memref_slice %arg12[%mul3A_13] : memref<1179648xf32, #tpu.memory_space<vmem_shared>> -> memref<73728xf32, #tpu.memory_space<vmem_shared>>
      %dma_wait3A_178 = tpu.memref_slice %arg4[%mul3A_13] : memref<1179648xf32, #tpu.memory_space<hbm>> -> memref<73728xf32, #tpu.memory_space<hbm>>
      tpu.wait_dma2 semaphore(%arg14 : memref<!tpu.dma_semaphore, #tpu.memory_space<semaphore_mem>>) src(%dma_wait3A_178 : memref<73728xf32, #tpu.memory_space<hbm>>) dst(%dma_wait3A_177 : memref<73728xf32, #tpu.memory_space<vmem_shared>>)
      %barrier3A = arith.constant 0 : index
      tpu.barrier barrier_id(%barrier3A)
      "tpu.region"() ({
        %run_scoped3A = tpu.sem_alloc : memref<!tpu.dma_semaphore, #tpu.memory_space<semaphore_mem>>
        %dma_start3A_238 = arith.constant 0 : i32
        %dma_start3A_239 = tpu.memref_slice %arg12[%dma_start3A_238] : memref<1179648xf32, #tpu.memory_space<vmem_shared>> -> memref<1179648xf32, #tpu.memory_space<vmem_shared>>
        tpu.enqueue_indirect_dma source(%arg10 : memref<9216xf32, #tpu.memory_space<vmem>>) target(%dma_start3A_239 : memref<1179648xf32, #tpu.memory_space<vmem_shared>>) offsets(%arg11 : memref<9216xi32, #tpu.memory_space<vmem>>) semaphore(%run_scoped3A : memref<!tpu.dma_semaphore, #tpu.memory_space<semaphore_mem>>) {add = true}
        %dma_wait3A_240 = arith.constant 0 : i32
        %dma_wait3A_241 = tpu.memref_slice %arg12[%dma_wait3A_240] : memref<1179648xf32, #tpu.memory_space<vmem_shared>> -> memref<1179648xf32, #tpu.memory_space<vmem_shared>>
        tpu.wait_indirect_dma semaphore(%run_scoped3A : memref<!tpu.dma_semaphore, #tpu.memory_space<semaphore_mem>>) src(%arg10 : memref<9216xf32, #tpu.memory_space<vmem>>) dst(%dma_wait3A_241 : memref<1179648xf32, #tpu.memory_space<vmem_shared>>)
        tpu.yield
      }) : () -> ()
      %dma_wait3A_179 = arith.constant 0 : i32
      %dma_wait3A_180 = arith.constant 0 : i32
      %dma_wait3A_181 = arith.constant 0 : i32
      %dma_wait3A_182 = tpu.memref_slice %arg9[%dma_wait3A_180, %dma_wait3A_181] : memref<576x16xi32, #tpu.memory_space<vmem>> -> memref<576x8xi32, #tpu.memory_space<vmem>>
      %dma_wait3A_183 = tpu.memref_slice %arg3[%add3A_17, %add3A_84, %dma_wait3A_179, %mul3A_33] : memref<4x18432x2x96xi32, #tpu.memory_space<hbm>> -> memref<1x576x1x8xi32, #tpu.memory_space<hbm>>
      %dma_wait3A_184 = tpu.memref_squeeze %dma_wait3A_183 : memref<1x576x1x8xi32, #tpu.memory_space<hbm>> -> memref<576x8xi32, #tpu.memory_space<hbm>>
      %dma_wait3A_185 = arith.constant 0 : i32
      %dma_wait3A_186 = arith.constant 0 : i32
      %dma_wait3A_187 = tpu.memref_slice %arg9[%dma_wait3A_185, %dma_wait3A_186] : memref<576x16xi32, #tpu.memory_space<vmem>> -> memref<576x8xi32, #tpu.memory_space<vmem>>
      %dma_wait3A_188 = tpu.memref_slice %arg3[%add3A_17, %add3A_84, %dma_wait3A_179, %mul3A_33] : memref<4x18432x2x96xi32, #tpu.memory_space<hbm>> -> memref<1x576x1x8xi32, #tpu.memory_space<hbm>>
      %dma_wait3A_189 = tpu.memref_squeeze %dma_wait3A_188 : memref<1x576x1x8xi32, #tpu.memory_space<hbm>> -> memref<576x8xi32, #tpu.memory_space<hbm>>
      tpu.wait_dma2 semaphore(%arg13 : memref<!tpu.dma_semaphore, #tpu.memory_space<semaphore_mem>>) src(%dma_wait3A_189 : memref<576x8xi32, #tpu.memory_space<hbm>>) dst(%dma_wait3A_187 : memref<576x8xi32, #tpu.memory_space<vmem>>)
      %dma_wait3A_190 = arith.constant 1 : i32
      %dma_wait3A_191 = arith.constant 0 : i32
      %dma_wait3A_192 = arith.constant 8 : i32
      %dma_wait3A_193 = tpu.memref_slice %arg9[%dma_wait3A_191, %dma_wait3A_192] : memref<576x16xi32, #tpu.memory_space<vmem>> -> memref<576x8xi32, #tpu.memory_space<vmem>>
      %dma_wait3A_194 = tpu.memref_slice %arg3[%add3A_17, %add3A_84, %dma_wait3A_190, %mul3A_33] : memref<4x18432x2x96xi32, #tpu.memory_space<hbm>> -> memref<1x576x1x8xi32, #tpu.memory_space<hbm>>
      %dma_wait3A_195 = tpu.memref_squeeze %dma_wait3A_194 : memref<1x576x1x8xi32, #tpu.memory_space<hbm>> -> memref<576x8xi32, #tpu.memory_space<hbm>>
      %dma_wait3A_196 = arith.constant 0 : i32
      %dma_wait3A_197 = arith.constant 8 : i32
      %dma_wait3A_198 = tpu.memref_slice %arg9[%dma_wait3A_196, %dma_wait3A_197] : memref<576x16xi32, #tpu.memory_space<vmem>> -> memref<576x8xi32, #tpu.memory_space<vmem>>
      %dma_wait3A_199 = tpu.memref_slice %arg3[%add3A_17, %add3A_84, %dma_wait3A_190, %mul3A_33] : memref<4x18432x2x96xi32, #tpu.memory_space<hbm>> -> memref<1x576x1x8xi32, #tpu.memory_space<hbm>>
      %dma_wait3A_200 = tpu.memref_squeeze %dma_wait3A_199 : memref<1x576x1x8xi32, #tpu.memory_space<hbm>> -> memref<576x8xi32, #tpu.memory_space<hbm>>
      tpu.wait_dma2 semaphore(%arg13 : memref<!tpu.dma_semaphore, #tpu.memory_space<semaphore_mem>>) src(%dma_wait3A_200 : memref<576x8xi32, #tpu.memory_space<hbm>>) dst(%dma_wait3A_198 : memref<576x8xi32, #tpu.memory_space<vmem>>)
      %dma_wait3A_201 = arith.constant 0 : i32
      %dma_wait3A_202 = arith.constant 0 : i32
      %dma_wait3A_203 = arith.constant 0 : i32
      %dma_wait3A_204 = tpu.memref_slice %arg8[%dma_wait3A_202, %dma_wait3A_203] : memref<576x16xf32, #tpu.memory_space<vmem>> -> memref<576x8xf32, #tpu.memory_space<vmem>>
      %dma_wait3A_205 = tpu.memref_slice %arg2[%add3A_17, %add3A_84, %dma_wait3A_201, %mul3A_33] : memref<4x18432x2x96xf32, #tpu.memory_space<hbm>> -> memref<1x576x1x8xf32, #tpu.memory_space<hbm>>
      %dma_wait3A_206 = tpu.memref_squeeze %dma_wait3A_205 : memref<1x576x1x8xf32, #tpu.memory_space<hbm>> -> memref<576x8xf32, #tpu.memory_space<hbm>>
      %dma_wait3A_207 = arith.constant 0 : i32
      %dma_wait3A_208 = arith.constant 0 : i32
      %dma_wait3A_209 = tpu.memref_slice %arg8[%dma_wait3A_207, %dma_wait3A_208] : memref<576x16xf32, #tpu.memory_space<vmem>> -> memref<576x8xf32, #tpu.memory_space<vmem>>
      %dma_wait3A_210 = tpu.memref_slice %arg2[%add3A_17, %add3A_84, %dma_wait3A_201, %mul3A_33] : memref<4x18432x2x96xf32, #tpu.memory_space<hbm>> -> memref<1x576x1x8xf32, #tpu.memory_space<hbm>>
      %dma_wait3A_211 = tpu.memref_squeeze %dma_wait3A_210 : memref<1x576x1x8xf32, #tpu.memory_space<hbm>> -> memref<576x8xf32, #tpu.memory_space<hbm>>
      tpu.wait_dma2 semaphore(%arg13 : memref<!tpu.dma_semaphore, #tpu.memory_space<semaphore_mem>>) src(%dma_wait3A_211 : memref<576x8xf32, #tpu.memory_space<hbm>>) dst(%dma_wait3A_209 : memref<576x8xf32, #tpu.memory_space<vmem>>)
      %dma_wait3A_212 = arith.constant 1 : i32
      %dma_wait3A_213 = arith.constant 0 : i32
      %dma_wait3A_214 = arith.constant 8 : i32
      %dma_wait3A_215 = tpu.memref_slice %arg8[%dma_wait3A_213, %dma_wait3A_214] : memref<576x16xf32, #tpu.memory_space<vmem>> -> memref<576x8xf32, #tpu.memory_space<vmem>>
      %dma_wait3A_216 = tpu.memref_slice %arg2[%add3A_17, %add3A_84, %dma_wait3A_212, %mul3A_33] : memref<4x18432x2x96xf32, #tpu.memory_space<hbm>> -> memref<1x576x1x8xf32, #tpu.memory_space<hbm>>
      %dma_wait3A_217 = tpu.memref_squeeze %dma_wait3A_216 : memref<1x576x1x8xf32, #tpu.memory_space<hbm>> -> memref<576x8xf32, #tpu.memory_space<hbm>>
      %dma_wait3A_218 = arith.constant 0 : i32
      %dma_wait3A_219 = arith.constant 8 : i32
      %dma_wait3A_220 = tpu.memref_slice %arg8[%dma_wait3A_218, %dma_wait3A_219] : memref<576x16xf32, #tpu.memory_space<vmem>> -> memref<576x8xf32, #tpu.memory_space<vmem>>
      %dma_wait3A_221 = tpu.memref_slice %arg2[%add3A_17, %add3A_84, %dma_wait3A_212, %mul3A_33] : memref<4x18432x2x96xf32, #tpu.memory_space<hbm>> -> memref<1x576x1x8xf32, #tpu.memory_space<hbm>>
      %dma_wait3A_222 = tpu.memref_squeeze %dma_wait3A_221 : memref<1x576x1x8xf32, #tpu.memory_space<hbm>> -> memref<576x8xf32, #tpu.memory_space<hbm>>
      tpu.wait_dma2 semaphore(%arg13 : memref<!tpu.dma_semaphore, #tpu.memory_space<semaphore_mem>>) src(%dma_wait3A_222 : memref<576x8xf32, #tpu.memory_space<hbm>>) dst(%dma_wait3A_220 : memref<576x8xf32, #tpu.memory_space<vmem>>)
      %scan3A_223 = arith.constant 0 : i32
      %scan3A_224 = arith.constant 576 : i32
      %scan3A_225 = arith.addi %scan3A_223, %scan3A_224 : i32
      %scan3A_226 = arith.constant 1 : i32
      scf.for %scan3A_238 = %scan3A_223 to %scan3A_225 step %scan3A_226  : i32 {
        %get3A = arith.index_cast %scan3A_238 : i32 to index
        %get3A_239 = arith.constant 0 : index
        %get3A_240 = tpu.vector_load %arg9[%get3A, %get3A_239] {strides = array<i32>} : memref<576x16xi32, #tpu.memory_space<vmem>>, vector<1x16xi32>,
        %get3A_241 = vector.shape_cast %get3A_240 : vector<1x16xi32> to vector<16xi32>
        %shift_right_logical3A_242 = arith.constant 12 : i32
        %shift_right_logical3A_243 = vector.broadcast %shift_right_logical3A_242 : i32 to vector<16xi32>
        %shift_right_logical3A_244 = arith.shrui %get3A_241, %shift_right_logical3A_243 : vector<16xi32>
        %mul3A_245 = arith.constant 7282 : i32
        %mul3A_246 = vector.broadcast %mul3A_245 : i32 to vector<16xi32>
        %mul3A_247 = arith.muli %shift_right_logical3A_244, %mul3A_246 : vector<16xi32>
        %shift_right_logical3A_248 = arith.constant 16 : i32
        %shift_right_logical3A_249 = vector.broadcast %shift_right_logical3A_248 : i32 to vector<16xi32>
        %shift_right_logical3A_250 = arith.shrui %mul3A_247, %shift_right_logical3A_249 : vector<16xi32>
        %shift_left3A = arith.constant 15 : i32
        %shift_left3A_251 = vector.broadcast %shift_left3A : i32 to vector<16xi32>
        %shift_left3A_252 = arith.shli %shift_right_logical3A_250, %shift_left3A_251 : vector<16xi32>
        %shift_left3A_253 = arith.constant 12 : i32
        %shift_left3A_254 = vector.broadcast %shift_left3A_253 : i32 to vector<16xi32>
        %shift_left3A_255 = arith.shli %shift_right_logical3A_250, %shift_left3A_254 : vector<16xi32>
        %add3A_256 = arith.addi %shift_left3A_252, %shift_left3A_255 : vector<16xi32>
        %sub3A = arith.subi %get3A_241, %add3A_256 : vector<16xi32>
        %shift_right_logical3A_257 = arith.constant 5 : i32
        %shift_right_logical3A_258 = vector.broadcast %shift_right_logical3A_257 : i32 to vector<16xi32>
        %shift_right_logical3A_259 = arith.shrui %sub3A, %shift_right_logical3A_258 : vector<16xi32>
        %mul3A_260 = arith.constant 21846 : i32
        %mul3A_261 = vector.broadcast %mul3A_260 : i32 to vector<16xi32>
        %mul3A_262 = arith.muli %shift_right_logical3A_259, %mul3A_261 : vector<16xi32>
        %shift_right_logical3A_263 = arith.constant 16 : i32
        %shift_right_logical3A_264 = vector.broadcast %shift_right_logical3A_263 : i32 to vector<16xi32>
        %shift_right_logical3A_265 = arith.shrui %mul3A_262, %shift_right_logical3A_264 : vector<16xi32>
        %shift_left3A_266 = arith.constant 8 : i32
        %shift_left3A_267 = vector.broadcast %shift_left3A_266 : i32 to vector<16xi32>
        %shift_left3A_268 = arith.shli %shift_right_logical3A_250, %shift_left3A_267 : vector<16xi32>
        %add3A_269 = arith.addi %add3A, %shift_left3A_268 : vector<16xi32>
        %shift_left3A_270 = arith.constant 7 : i32
        %shift_left3A_271 = vector.broadcast %shift_left3A_270 : i32 to vector<16xi32>
        %shift_left3A_272 = arith.shli %shift_right_logical3A_250, %shift_left3A_271 : vector<16xi32>
        %add3A_273 = arith.addi %add3A_269, %shift_left3A_272 : vector<16xi32>
        %add3A_274 = arith.addi %add3A_273, %shift_right_logical3A_265 : vector<16xi32>
        %mul3A_275 = arith.constant 16 : i32
        %mul3A_276 = arith.muli %scan3A_238, %mul3A_275 : i32
        %swap3A = arith.index_cast %mul3A_276 : i32 to index
        %swap3A_277 = tpu.vector_load %arg11[%swap3A] {strides = array<i32>} : memref<9216xi32, #tpu.memory_space<vmem>>, vector<16xi32>,
        %swap3A_278 = vector.shape_cast %swap3A_277 : vector<16xi32> to vector<16xi32>
        %swap3A_279 = vector.shape_cast %add3A_274 : vector<16xi32> to vector<16xi32>
        tpu.vector_store %arg11[%swap3A], %swap3A_279 {strides = array<i32>} : memref<9216xi32, #tpu.memory_space<vmem>>, vector<16xi32>,
        %get3A_280 = arith.index_cast %scan3A_238 : i32 to index
        %get3A_281 = arith.constant 0 : index
        %get3A_282 = tpu.vector_load %arg8[%get3A_280, %get3A_281] {strides = array<i32>} : memref<576x16xf32, #tpu.memory_space<vmem>>, vector<1x16xf32>,
        %get3A_283 = vector.shape_cast %get3A_282 : vector<1x16xf32> to vector<16xf32>
        %mul3A_284 = arith.constant 16 : i32
        %mul3A_285 = arith.muli %scan3A_238, %mul3A_284 : i32
        %swap3A_286 = arith.index_cast %mul3A_285 : i32 to index
        %swap3A_287 = tpu.vector_load %arg10[%swap3A_286] {strides = array<i32>} : memref<9216xf32, #tpu.memory_space<vmem>>, vector<16xf32>,
        %swap3A_288 = vector.shape_cast %swap3A_287 : vector<16xf32> to vector<16xf32>
        %swap3A_289 = vector.shape_cast %get3A_283 : vector<16xf32> to vector<16xf32>
        tpu.vector_store %arg10[%swap3A_286], %swap3A_289 {strides = array<i32>} : memref<9216xf32, #tpu.memory_space<vmem>>, vector<16xf32>,
      }
      %scan3A_227 = arith.constant 576 : i32
      "tpu.region"() ({
        %run_scoped3A = tpu.sem_alloc : memref<!tpu.dma_semaphore, #tpu.memory_space<semaphore_mem>>
        %dma_start3A_238 = arith.constant 0 : i32
        %dma_start3A_239 = tpu.memref_slice %arg12[%dma_start3A_238] : memref<1179648xf32, #tpu.memory_space<vmem_shared>> -> memref<1179648xf32, #tpu.memory_space<vmem_shared>>
        tpu.enqueue_indirect_dma source(%arg10 : memref<9216xf32, #tpu.memory_space<vmem>>) target(%dma_start3A_239 : memref<1179648xf32, #tpu.memory_space<vmem_shared>>) offsets(%arg11 : memref<9216xi32, #tpu.memory_space<vmem>>) semaphore(%run_scoped3A : memref<!tpu.dma_semaphore, #tpu.memory_space<semaphore_mem>>) {add = true}
        %dma_wait3A_240 = arith.constant 0 : i32
        %dma_wait3A_241 = tpu.memref_slice %arg12[%dma_wait3A_240] : memref<1179648xf32, #tpu.memory_space<vmem_shared>> -> memref<1179648xf32, #tpu.memory_space<vmem_shared>>
        tpu.wait_indirect_dma semaphore(%run_scoped3A : memref<!tpu.dma_semaphore, #tpu.memory_space<semaphore_mem>>) src(%arg10 : memref<9216xf32, #tpu.memory_space<vmem>>) dst(%dma_wait3A_241 : memref<1179648xf32, #tpu.memory_space<vmem_shared>>)
        tpu.yield
      }) : () -> ()
      %barrier3A_228 = arith.constant 0 : index
      tpu.barrier barrier_id(%barrier3A_228)
      %barrier3A_229 = arith.constant 0 : index
      tpu.barrier barrier_id(%barrier3A_229)
      %mul3A_230 = arith.constant 24 : i32
      %mul3A_231 = arith.muli %add3A_17, %mul3A_230 : i32
      %mul3A_232 = arith.constant 2 : i32
      %mul3A_233 = arith.muli %mul3A_232, %scan3A_31 : i32
      %add3A_234 = arith.addi %mul3A_231, %mul3A_233 : i32
      %mul3A_235 = arith.constant 589824 : i32
      %mul3A_236 = arith.muli %add3A_234, %mul3A_235 : i32
      %add3A_237 = arith.addi %mul3A_236, %mul3A_13 : i32
      "tpu.region"() ({
        %run_scoped3A = tpu.sem_alloc : memref<!tpu.dma_semaphore, #tpu.memory_space<semaphore_mem>>
        %dma_start3A_238 = tpu.memref_slice %arg5[%add3A_237] : memref<56623104xf32, #tpu.memory_space<hbm>> -> memref<73728xf32, #tpu.memory_space<hbm>>
        %dma_start3A_239 = tpu.memref_slice %arg12[%mul3A_13] : memref<1179648xf32, #tpu.memory_space<vmem_shared>> -> memref<73728xf32, #tpu.memory_space<vmem_shared>>
        tpu.enqueue_dma source(%dma_start3A_239 : memref<73728xf32, #tpu.memory_space<vmem_shared>>) target(%dma_start3A_238 : memref<73728xf32, #tpu.memory_space<hbm>>) target_semaphore(%run_scoped3A : memref<!tpu.dma_semaphore, #tpu.memory_space<semaphore_mem>>)
        %dma_wait3A_240 = tpu.memref_slice %arg5[%add3A_237] : memref<56623104xf32, #tpu.memory_space<hbm>> -> memref<73728xf32, #tpu.memory_space<hbm>>
        %dma_wait3A_241 = tpu.memref_slice %arg12[%mul3A_13] : memref<1179648xf32, #tpu.memory_space<vmem_shared>> -> memref<73728xf32, #tpu.memory_space<vmem_shared>>
        tpu.wait_dma2 semaphore(%run_scoped3A : memref<!tpu.dma_semaphore, #tpu.memory_space<semaphore_mem>>) src(%dma_wait3A_241 : memref<73728xf32, #tpu.memory_space<vmem_shared>>) dst(%dma_wait3A_240 : memref<73728xf32, #tpu.memory_space<hbm>>)
        tpu.yield
      }) : () -> ()
    }
    %scan3A_21 = arith.constant 12 : i32
    %mul3A_22 = arith.constant 2 : i32
    %mul3A_23 = arith.muli %arg0, %mul3A_22 : i32
    %add3A_24 = arith.constant 1 : i32
    %add3A_25 = arith.addi %mul3A_23, %add3A_24 : i32
    %scan3A_26 = arith.constant 0 : i32
    %scan3A_27 = arith.constant 12 : i32
    %scan3A_28 = arith.addi %scan3A_26, %scan3A_27 : i32
    %scan3A_29 = arith.constant 1 : i32
    scf.for %scan3A_31 = %scan3A_26 to %scan3A_28 step %scan3A_29  : i32 {
      %mul3A_32 = arith.constant 8 : i32
      %mul3A_33 = arith.muli %scan3A_31, %mul3A_32 : i32
      %dma_start3A = tpu.memref_slice %arg12[%mul3A_13] : memref<1179648xf32, #tpu.memory_space<vmem_shared>> -> memref<73728xf32, #tpu.memory_space<vmem_shared>>
      %dma_start3A_34 = tpu.memref_slice %arg4[%mul3A_13] : memref<1179648xf32, #tpu.memory_space<hbm>> -> memref<73728xf32, #tpu.memory_space<hbm>>
      tpu.enqueue_dma source(%dma_start3A_34 : memref<73728xf32, #tpu.memory_space<hbm>>) target(%dma_start3A : memref<73728xf32, #tpu.memory_space<vmem_shared>>) target_semaphore(%arg14 : memref<!tpu.dma_semaphore, #tpu.memory_space<semaphore_mem>>)
      %mul3A_35 = arith.constant 1152 : i32
      %mul3A_36 = arith.muli %arg1, %mul3A_35 : i32
      %add3A_37 = arith.constant 0 : i32
      %add3A_38 = arith.addi %mul3A_36, %add3A_37 : i32
      %dma_start3A_39 = arith.constant 0 : i32
      %dma_start3A_40 = arith.constant 0 : i32
      %dma_start3A_41 = arith.constant 0 : i32
      %dma_start3A_42 = tpu.memref_slice %arg7[%dma_start3A_40, %dma_start3A_41] : memref<576x16xi32, #tpu.memory_space<vmem>> -> memref<576x8xi32, #tpu.memory_space<vmem>>
      %dma_start3A_43 = tpu.memref_slice %arg3[%add3A_25, %add3A_38, %dma_start3A_39, %mul3A_33] : memref<4x18432x2x96xi32, #tpu.memory_space<hbm>> -> memref<1x576x1x8xi32, #tpu.memory_space<hbm>>
      %dma_start3A_44 = tpu.memref_squeeze %dma_start3A_43 : memref<1x576x1x8xi32, #tpu.memory_space<hbm>> -> memref<576x8xi32, #tpu.memory_space<hbm>>
      %dma_start3A_45 = arith.constant 0 : i32
      %dma_start3A_46 = arith.constant 0 : i32
      %dma_start3A_47 = tpu.memref_slice %arg7[%dma_start3A_45, %dma_start3A_46] : memref<576x16xi32, #tpu.memory_space<vmem>> -> memref<576x8xi32, #tpu.memory_space<vmem>>
      %dma_start3A_48 = tpu.memref_slice %arg3[%add3A_25, %add3A_38, %dma_start3A_39, %mul3A_33] : memref<4x18432x2x96xi32, #tpu.memory_space<hbm>> -> memref<1x576x1x8xi32, #tpu.memory_space<hbm>>
      %dma_start3A_49 = tpu.memref_squeeze %dma_start3A_48 : memref<1x576x1x8xi32, #tpu.memory_space<hbm>> -> memref<576x8xi32, #tpu.memory_space<hbm>>
      tpu.enqueue_dma source(%dma_start3A_49 : memref<576x8xi32, #tpu.memory_space<hbm>>) target(%dma_start3A_47 : memref<576x8xi32, #tpu.memory_space<vmem>>) target_semaphore(%arg13 : memref<!tpu.dma_semaphore, #tpu.memory_space<semaphore_mem>>)
      %dma_start3A_50 = arith.constant 1 : i32
      %dma_start3A_51 = arith.constant 0 : i32
      %dma_start3A_52 = arith.constant 8 : i32
      %dma_start3A_53 = tpu.memref_slice %arg7[%dma_start3A_51, %dma_start3A_52] : memref<576x16xi32, #tpu.memory_space<vmem>> -> memref<576x8xi32, #tpu.memory_space<vmem>>
      %dma_start3A_54 = tpu.memref_slice %arg3[%add3A_25, %add3A_38, %dma_start3A_50, %mul3A_33] : memref<4x18432x2x96xi32, #tpu.memory_space<hbm>> -> memref<1x576x1x8xi32, #tpu.memory_space<hbm>>
      %dma_start3A_55 = tpu.memref_squeeze %dma_start3A_54 : memref<1x576x1x8xi32, #tpu.memory_space<hbm>> -> memref<576x8xi32, #tpu.memory_space<hbm>>
      %dma_start3A_56 = arith.constant 0 : i32
      %dma_start3A_57 = arith.constant 8 : i32
      %dma_start3A_58 = tpu.memref_slice %arg7[%dma_start3A_56, %dma_start3A_57] : memref<576x16xi32, #tpu.memory_space<vmem>> -> memref<576x8xi32, #tpu.memory_space<vmem>>
      %dma_start3A_59 = tpu.memref_slice %arg3[%add3A_25, %add3A_38, %dma_start3A_50, %mul3A_33] : memref<4x18432x2x96xi32, #tpu.memory_space<hbm>> -> memref<1x576x1x8xi32, #tpu.memory_space<hbm>>
      %dma_start3A_60 = tpu.memref_squeeze %dma_start3A_59 : memref<1x576x1x8xi32, #tpu.memory_space<hbm>> -> memref<576x8xi32, #tpu.memory_space<hbm>>
      tpu.enqueue_dma source(%dma_start3A_60 : memref<576x8xi32, #tpu.memory_space<hbm>>) target(%dma_start3A_58 : memref<576x8xi32, #tpu.memory_space<vmem>>) target_semaphore(%arg13 : memref<!tpu.dma_semaphore, #tpu.memory_space<semaphore_mem>>)
      %dma_start3A_61 = arith.constant 0 : i32
      %dma_start3A_62 = arith.constant 0 : i32
      %dma_start3A_63 = arith.constant 0 : i32
      %dma_start3A_64 = tpu.memref_slice %arg6[%dma_start3A_62, %dma_start3A_63] : memref<576x16xf32, #tpu.memory_space<vmem>> -> memref<576x8xf32, #tpu.memory_space<vmem>>
      %dma_start3A_65 = tpu.memref_slice %arg2[%add3A_25, %add3A_38, %dma_start3A_61, %mul3A_33] : memref<4x18432x2x96xf32, #tpu.memory_space<hbm>> -> memref<1x576x1x8xf32, #tpu.memory_space<hbm>>
      %dma_start3A_66 = tpu.memref_squeeze %dma_start3A_65 : memref<1x576x1x8xf32, #tpu.memory_space<hbm>> -> memref<576x8xf32, #tpu.memory_space<hbm>>
      %dma_start3A_67 = arith.constant 0 : i32
      %dma_start3A_68 = arith.constant 0 : i32
      %dma_start3A_69 = tpu.memref_slice %arg6[%dma_start3A_67, %dma_start3A_68] : memref<576x16xf32, #tpu.memory_space<vmem>> -> memref<576x8xf32, #tpu.memory_space<vmem>>
      %dma_start3A_70 = tpu.memref_slice %arg2[%add3A_25, %add3A_38, %dma_start3A_61, %mul3A_33] : memref<4x18432x2x96xf32, #tpu.memory_space<hbm>> -> memref<1x576x1x8xf32, #tpu.memory_space<hbm>>
      %dma_start3A_71 = tpu.memref_squeeze %dma_start3A_70 : memref<1x576x1x8xf32, #tpu.memory_space<hbm>> -> memref<576x8xf32, #tpu.memory_space<hbm>>
      tpu.enqueue_dma source(%dma_start3A_71 : memref<576x8xf32, #tpu.memory_space<hbm>>) target(%dma_start3A_69 : memref<576x8xf32, #tpu.memory_space<vmem>>) target_semaphore(%arg13 : memref<!tpu.dma_semaphore, #tpu.memory_space<semaphore_mem>>)
      %dma_start3A_72 = arith.constant 1 : i32
      %dma_start3A_73 = arith.constant 0 : i32
      %dma_start3A_74 = arith.constant 8 : i32
      %dma_start3A_75 = tpu.memref_slice %arg6[%dma_start3A_73, %dma_start3A_74] : memref<576x16xf32, #tpu.memory_space<vmem>> -> memref<576x8xf32, #tpu.memory_space<vmem>>
      %dma_start3A_76 = tpu.memref_slice %arg2[%add3A_25, %add3A_38, %dma_start3A_72, %mul3A_33] : memref<4x18432x2x96xf32, #tpu.memory_space<hbm>> -> memref<1x576x1x8xf32, #tpu.memory_space<hbm>>
      %dma_start3A_77 = tpu.memref_squeeze %dma_start3A_76 : memref<1x576x1x8xf32, #tpu.memory_space<hbm>> -> memref<576x8xf32, #tpu.memory_space<hbm>>
      %dma_start3A_78 = arith.constant 0 : i32
      %dma_start3A_79 = arith.constant 8 : i32
      %dma_start3A_80 = tpu.memref_slice %arg6[%dma_start3A_78, %dma_start3A_79] : memref<576x16xf32, #tpu.memory_space<vmem>> -> memref<576x8xf32, #tpu.memory_space<vmem>>
      %dma_start3A_81 = tpu.memref_slice %arg2[%add3A_25, %add3A_38, %dma_start3A_72, %mul3A_33] : memref<4x18432x2x96xf32, #tpu.memory_space<hbm>> -> memref<1x576x1x8xf32, #tpu.memory_space<hbm>>
      %dma_start3A_82 = tpu.memref_squeeze %dma_start3A_81 : memref<1x576x1x8xf32, #tpu.memory_space<hbm>> -> memref<576x8xf32, #tpu.memory_space<hbm>>
      tpu.enqueue_dma source(%dma_start3A_82 : memref<576x8xf32, #tpu.memory_space<hbm>>) target(%dma_start3A_80 : memref<576x8xf32, #tpu.memory_space<vmem>>) target_semaphore(%arg13 : memref<!tpu.dma_semaphore, #tpu.memory_space<semaphore_mem>>)
      %add3A_83 = arith.constant 576 : i32
      %add3A_84 = arith.addi %mul3A_36, %add3A_83 : i32
      %dma_start3A_85 = arith.constant 0 : i32
      %dma_start3A_86 = arith.constant 0 : i32
      %dma_start3A_87 = arith.constant 0 : i32
      %dma_start3A_88 = tpu.memref_slice %arg9[%dma_start3A_86, %dma_start3A_87] : memref<576x16xi32, #tpu.memory_space<vmem>> -> memref<576x8xi32, #tpu.memory_space<vmem>>
      %dma_start3A_89 = tpu.memref_slice %arg3[%add3A_25, %add3A_84, %dma_start3A_85, %mul3A_33] : memref<4x18432x2x96xi32, #tpu.memory_space<hbm>> -> memref<1x576x1x8xi32, #tpu.memory_space<hbm>>
      %dma_start3A_90 = tpu.memref_squeeze %dma_start3A_89 : memref<1x576x1x8xi32, #tpu.memory_space<hbm>> -> memref<576x8xi32, #tpu.memory_space<hbm>>
      %dma_start3A_91 = arith.constant 0 : i32
      %dma_start3A_92 = arith.constant 0 : i32
      %dma_start3A_93 = tpu.memref_slice %arg9[%dma_start3A_91, %dma_start3A_92] : memref<576x16xi32, #tpu.memory_space<vmem>> -> memref<576x8xi32, #tpu.memory_space<vmem>>
      %dma_start3A_94 = tpu.memref_slice %arg3[%add3A_25, %add3A_84, %dma_start3A_85, %mul3A_33] : memref<4x18432x2x96xi32, #tpu.memory_space<hbm>> -> memref<1x576x1x8xi32, #tpu.memory_space<hbm>>
      %dma_start3A_95 = tpu.memref_squeeze %dma_start3A_94 : memref<1x576x1x8xi32, #tpu.memory_space<hbm>> -> memref<576x8xi32, #tpu.memory_space<hbm>>
      tpu.enqueue_dma source(%dma_start3A_95 : memref<576x8xi32, #tpu.memory_space<hbm>>) target(%dma_start3A_93 : memref<576x8xi32, #tpu.memory_space<vmem>>) target_semaphore(%arg13 : memref<!tpu.dma_semaphore, #tpu.memory_space<semaphore_mem>>)
      %dma_start3A_96 = arith.constant 1 : i32
      %dma_start3A_97 = arith.constant 0 : i32
      %dma_start3A_98 = arith.constant 8 : i32
      %dma_start3A_99 = tpu.memref_slice %arg9[%dma_start3A_97, %dma_start3A_98] : memref<576x16xi32, #tpu.memory_space<vmem>> -> memref<576x8xi32, #tpu.memory_space<vmem>>
      %dma_start3A_100 = tpu.memref_slice %arg3[%add3A_25, %add3A_84, %dma_start3A_96, %mul3A_33] : memref<4x18432x2x96xi32, #tpu.memory_space<hbm>> -> memref<1x576x1x8xi32, #tpu.memory_space<hbm>>
      %dma_start3A_101 = tpu.memref_squeeze %dma_start3A_100 : memref<1x576x1x8xi32, #tpu.memory_space<hbm>> -> memref<576x8xi32, #tpu.memory_space<hbm>>
      %dma_start3A_102 = arith.constant 0 : i32
      %dma_start3A_103 = arith.constant 8 : i32
      %dma_start3A_104 = tpu.memref_slice %arg9[%dma_start3A_102, %dma_start3A_103] : memref<576x16xi32, #tpu.memory_space<vmem>> -> memref<576x8xi32, #tpu.memory_space<vmem>>
      %dma_start3A_105 = tpu.memref_slice %arg3[%add3A_25, %add3A_84, %dma_start3A_96, %mul3A_33] : memref<4x18432x2x96xi32, #tpu.memory_space<hbm>> -> memref<1x576x1x8xi32, #tpu.memory_space<hbm>>
      %dma_start3A_106 = tpu.memref_squeeze %dma_start3A_105 : memref<1x576x1x8xi32, #tpu.memory_space<hbm>> -> memref<576x8xi32, #tpu.memory_space<hbm>>
      tpu.enqueue_dma source(%dma_start3A_106 : memref<576x8xi32, #tpu.memory_space<hbm>>) target(%dma_start3A_104 : memref<576x8xi32, #tpu.memory_space<vmem>>) target_semaphore(%arg13 : memref<!tpu.dma_semaphore, #tpu.memory_space<semaphore_mem>>)
      %dma_start3A_107 = arith.constant 0 : i32
      %dma_start3A_108 = arith.constant 0 : i32
      %dma_start3A_109 = arith.constant 0 : i32
      %dma_start3A_110 = tpu.memref_slice %arg8[%dma_start3A_108, %dma_start3A_109] : memref<576x16xf32, #tpu.memory_space<vmem>> -> memref<576x8xf32, #tpu.memory_space<vmem>>
      %dma_start3A_111 = tpu.memref_slice %arg2[%add3A_25, %add3A_84, %dma_start3A_107, %mul3A_33] : memref<4x18432x2x96xf32, #tpu.memory_space<hbm>> -> memref<1x576x1x8xf32, #tpu.memory_space<hbm>>
      %dma_start3A_112 = tpu.memref_squeeze %dma_start3A_111 : memref<1x576x1x8xf32, #tpu.memory_space<hbm>> -> memref<576x8xf32, #tpu.memory_space<hbm>>
      %dma_start3A_113 = arith.constant 0 : i32
      %dma_start3A_114 = arith.constant 0 : i32
      %dma_start3A_115 = tpu.memref_slice %arg8[%dma_start3A_113, %dma_start3A_114] : memref<576x16xf32, #tpu.memory_space<vmem>> -> memref<576x8xf32, #tpu.memory_space<vmem>>
      %dma_start3A_116 = tpu.memref_slice %arg2[%add3A_25, %add3A_84, %dma_start3A_107, %mul3A_33] : memref<4x18432x2x96xf32, #tpu.memory_space<hbm>> -> memref<1x576x1x8xf32, #tpu.memory_space<hbm>>
      %dma_start3A_117 = tpu.memref_squeeze %dma_start3A_116 : memref<1x576x1x8xf32, #tpu.memory_space<hbm>> -> memref<576x8xf32, #tpu.memory_space<hbm>>
      tpu.enqueue_dma source(%dma_start3A_117 : memref<576x8xf32, #tpu.memory_space<hbm>>) target(%dma_start3A_115 : memref<576x8xf32, #tpu.memory_space<vmem>>) target_semaphore(%arg13 : memref<!tpu.dma_semaphore, #tpu.memory_space<semaphore_mem>>)
      %dma_start3A_118 = arith.constant 1 : i32
      %dma_start3A_119 = arith.constant 0 : i32
      %dma_start3A_120 = arith.constant 8 : i32
      %dma_start3A_121 = tpu.memref_slice %arg8[%dma_start3A_119, %dma_start3A_120] : memref<576x16xf32, #tpu.memory_space<vmem>> -> memref<576x8xf32, #tpu.memory_space<vmem>>
      %dma_start3A_122 = tpu.memref_slice %arg2[%add3A_25, %add3A_84, %dma_start3A_118, %mul3A_33] : memref<4x18432x2x96xf32, #tpu.memory_space<hbm>> -> memref<1x576x1x8xf32, #tpu.memory_space<hbm>>
      %dma_start3A_123 = tpu.memref_squeeze %dma_start3A_122 : memref<1x576x1x8xf32, #tpu.memory_space<hbm>> -> memref<576x8xf32, #tpu.memory_space<hbm>>
      %dma_start3A_124 = arith.constant 0 : i32
      %dma_start3A_125 = arith.constant 8 : i32
      %dma_start3A_126 = tpu.memref_slice %arg8[%dma_start3A_124, %dma_start3A_125] : memref<576x16xf32, #tpu.memory_space<vmem>> -> memref<576x8xf32, #tpu.memory_space<vmem>>
      %dma_start3A_127 = tpu.memref_slice %arg2[%add3A_25, %add3A_84, %dma_start3A_118, %mul3A_33] : memref<4x18432x2x96xf32, #tpu.memory_space<hbm>> -> memref<1x576x1x8xf32, #tpu.memory_space<hbm>>
      %dma_start3A_128 = tpu.memref_squeeze %dma_start3A_127 : memref<1x576x1x8xf32, #tpu.memory_space<hbm>> -> memref<576x8xf32, #tpu.memory_space<hbm>>
      tpu.enqueue_dma source(%dma_start3A_128 : memref<576x8xf32, #tpu.memory_space<hbm>>) target(%dma_start3A_126 : memref<576x8xf32, #tpu.memory_space<vmem>>) target_semaphore(%arg13 : memref<!tpu.dma_semaphore, #tpu.memory_space<semaphore_mem>>)
      %dma_wait3A = arith.constant 0 : i32
      %dma_wait3A_129 = arith.constant 0 : i32
      %dma_wait3A_130 = arith.constant 0 : i32
      %dma_wait3A_131 = tpu.memref_slice %arg7[%dma_wait3A_129, %dma_wait3A_130] : memref<576x16xi32, #tpu.memory_space<vmem>> -> memref<576x8xi32, #tpu.memory_space<vmem>>
      %dma_wait3A_132 = tpu.memref_slice %arg3[%add3A_25, %add3A_38, %dma_wait3A, %mul3A_33] : memref<4x18432x2x96xi32, #tpu.memory_space<hbm>> -> memref<1x576x1x8xi32, #tpu.memory_space<hbm>>
      %dma_wait3A_133 = tpu.memref_squeeze %dma_wait3A_132 : memref<1x576x1x8xi32, #tpu.memory_space<hbm>> -> memref<576x8xi32, #tpu.memory_space<hbm>>
      %dma_wait3A_134 = arith.constant 0 : i32
      %dma_wait3A_135 = arith.constant 0 : i32
      %dma_wait3A_136 = tpu.memref_slice %arg7[%dma_wait3A_134, %dma_wait3A_135] : memref<576x16xi32, #tpu.memory_space<vmem>> -> memref<576x8xi32, #tpu.memory_space<vmem>>
      %dma_wait3A_137 = tpu.memref_slice %arg3[%add3A_25, %add3A_38, %dma_wait3A, %mul3A_33] : memref<4x18432x2x96xi32, #tpu.memory_space<hbm>> -> memref<1x576x1x8xi32, #tpu.memory_space<hbm>>
      %dma_wait3A_138 = tpu.memref_squeeze %dma_wait3A_137 : memref<1x576x1x8xi32, #tpu.memory_space<hbm>> -> memref<576x8xi32, #tpu.memory_space<hbm>>
      tpu.wait_dma2 semaphore(%arg13 : memref<!tpu.dma_semaphore, #tpu.memory_space<semaphore_mem>>) src(%dma_wait3A_138 : memref<576x8xi32, #tpu.memory_space<hbm>>) dst(%dma_wait3A_136 : memref<576x8xi32, #tpu.memory_space<vmem>>)
      %dma_wait3A_139 = arith.constant 1 : i32
      %dma_wait3A_140 = arith.constant 0 : i32
      %dma_wait3A_141 = arith.constant 8 : i32
      %dma_wait3A_142 = tpu.memref_slice %arg7[%dma_wait3A_140, %dma_wait3A_141] : memref<576x16xi32, #tpu.memory_space<vmem>> -> memref<576x8xi32, #tpu.memory_space<vmem>>
      %dma_wait3A_143 = tpu.memref_slice %arg3[%add3A_25, %add3A_38, %dma_wait3A_139, %mul3A_33] : memref<4x18432x2x96xi32, #tpu.memory_space<hbm>> -> memref<1x576x1x8xi32, #tpu.memory_space<hbm>>
      %dma_wait3A_144 = tpu.memref_squeeze %dma_wait3A_143 : memref<1x576x1x8xi32, #tpu.memory_space<hbm>> -> memref<576x8xi32, #tpu.memory_space<hbm>>
      %dma_wait3A_145 = arith.constant 0 : i32
      %dma_wait3A_146 = arith.constant 8 : i32
      %dma_wait3A_147 = tpu.memref_slice %arg7[%dma_wait3A_145, %dma_wait3A_146] : memref<576x16xi32, #tpu.memory_space<vmem>> -> memref<576x8xi32, #tpu.memory_space<vmem>>
      %dma_wait3A_148 = tpu.memref_slice %arg3[%add3A_25, %add3A_38, %dma_wait3A_139, %mul3A_33] : memref<4x18432x2x96xi32, #tpu.memory_space<hbm>> -> memref<1x576x1x8xi32, #tpu.memory_space<hbm>>
      %dma_wait3A_149 = tpu.memref_squeeze %dma_wait3A_148 : memref<1x576x1x8xi32, #tpu.memory_space<hbm>> -> memref<576x8xi32, #tpu.memory_space<hbm>>
      tpu.wait_dma2 semaphore(%arg13 : memref<!tpu.dma_semaphore, #tpu.memory_space<semaphore_mem>>) src(%dma_wait3A_149 : memref<576x8xi32, #tpu.memory_space<hbm>>) dst(%dma_wait3A_147 : memref<576x8xi32, #tpu.memory_space<vmem>>)
      %dma_wait3A_150 = arith.constant 0 : i32
      %dma_wait3A_151 = arith.constant 0 : i32
      %dma_wait3A_152 = arith.constant 0 : i32
      %dma_wait3A_153 = tpu.memref_slice %arg6[%dma_wait3A_151, %dma_wait3A_152] : memref<576x16xf32, #tpu.memory_space<vmem>> -> memref<576x8xf32, #tpu.memory_space<vmem>>
      %dma_wait3A_154 = tpu.memref_slice %arg2[%add3A_25, %add3A_38, %dma_wait3A_150, %mul3A_33] : memref<4x18432x2x96xf32, #tpu.memory_space<hbm>> -> memref<1x576x1x8xf32, #tpu.memory_space<hbm>>
      %dma_wait3A_155 = tpu.memref_squeeze %dma_wait3A_154 : memref<1x576x1x8xf32, #tpu.memory_space<hbm>> -> memref<576x8xf32, #tpu.memory_space<hbm>>
      %dma_wait3A_156 = arith.constant 0 : i32
      %dma_wait3A_157 = arith.constant 0 : i32
      %dma_wait3A_158 = tpu.memref_slice %arg6[%dma_wait3A_156, %dma_wait3A_157] : memref<576x16xf32, #tpu.memory_space<vmem>> -> memref<576x8xf32, #tpu.memory_space<vmem>>
      %dma_wait3A_159 = tpu.memref_slice %arg2[%add3A_25, %add3A_38, %dma_wait3A_150, %mul3A_33] : memref<4x18432x2x96xf32, #tpu.memory_space<hbm>> -> memref<1x576x1x8xf32, #tpu.memory_space<hbm>>
      %dma_wait3A_160 = tpu.memref_squeeze %dma_wait3A_159 : memref<1x576x1x8xf32, #tpu.memory_space<hbm>> -> memref<576x8xf32, #tpu.memory_space<hbm>>
      tpu.wait_dma2 semaphore(%arg13 : memref<!tpu.dma_semaphore, #tpu.memory_space<semaphore_mem>>) src(%dma_wait3A_160 : memref<576x8xf32, #tpu.memory_space<hbm>>) dst(%dma_wait3A_158 : memref<576x8xf32, #tpu.memory_space<vmem>>)
      %dma_wait3A_161 = arith.constant 1 : i32
      %dma_wait3A_162 = arith.constant 0 : i32
      %dma_wait3A_163 = arith.constant 8 : i32
      %dma_wait3A_164 = tpu.memref_slice %arg6[%dma_wait3A_162, %dma_wait3A_163] : memref<576x16xf32, #tpu.memory_space<vmem>> -> memref<576x8xf32, #tpu.memory_space<vmem>>
      %dma_wait3A_165 = tpu.memref_slice %arg2[%add3A_25, %add3A_38, %dma_wait3A_161, %mul3A_33] : memref<4x18432x2x96xf32, #tpu.memory_space<hbm>> -> memref<1x576x1x8xf32, #tpu.memory_space<hbm>>
      %dma_wait3A_166 = tpu.memref_squeeze %dma_wait3A_165 : memref<1x576x1x8xf32, #tpu.memory_space<hbm>> -> memref<576x8xf32, #tpu.memory_space<hbm>>
      %dma_wait3A_167 = arith.constant 0 : i32
      %dma_wait3A_168 = arith.constant 8 : i32
      %dma_wait3A_169 = tpu.memref_slice %arg6[%dma_wait3A_167, %dma_wait3A_168] : memref<576x16xf32, #tpu.memory_space<vmem>> -> memref<576x8xf32, #tpu.memory_space<vmem>>
      %dma_wait3A_170 = tpu.memref_slice %arg2[%add3A_25, %add3A_38, %dma_wait3A_161, %mul3A_33] : memref<4x18432x2x96xf32, #tpu.memory_space<hbm>> -> memref<1x576x1x8xf32, #tpu.memory_space<hbm>>
      %dma_wait3A_171 = tpu.memref_squeeze %dma_wait3A_170 : memref<1x576x1x8xf32, #tpu.memory_space<hbm>> -> memref<576x8xf32, #tpu.memory_space<hbm>>
      tpu.wait_dma2 semaphore(%arg13 : memref<!tpu.dma_semaphore, #tpu.memory_space<semaphore_mem>>) src(%dma_wait3A_171 : memref<576x8xf32, #tpu.memory_space<hbm>>) dst(%dma_wait3A_169 : memref<576x8xf32, #tpu.memory_space<vmem>>)
      %scan3A_172 = arith.constant 0 : i32
      %scan3A_173 = arith.constant 576 : i32
      %scan3A_174 = arith.addi %scan3A_172, %scan3A_173 : i32
      %scan3A_175 = arith.constant 1 : i32
      scf.for %scan3A_238 = %scan3A_172 to %scan3A_174 step %scan3A_175  : i32 {
        %get3A = arith.index_cast %scan3A_238 : i32 to index
        %get3A_239 = arith.constant 0 : index
        %get3A_240 = tpu.vector_load %arg7[%get3A, %get3A_239] {strides = array<i32>} : memref<576x16xi32, #tpu.memory_space<vmem>>, vector<1x16xi32>,
        %get3A_241 = vector.shape_cast %get3A_240 : vector<1x16xi32> to vector<16xi32>
        %shift_right_logical3A_242 = arith.constant 12 : i32
        %shift_right_logical3A_243 = vector.broadcast %shift_right_logical3A_242 : i32 to vector<16xi32>
        %shift_right_logical3A_244 = arith.shrui %get3A_241, %shift_right_logical3A_243 : vector<16xi32>
        %mul3A_245 = arith.constant 7282 : i32
        %mul3A_246 = vector.broadcast %mul3A_245 : i32 to vector<16xi32>
        %mul3A_247 = arith.muli %shift_right_logical3A_244, %mul3A_246 : vector<16xi32>
        %shift_right_logical3A_248 = arith.constant 16 : i32
        %shift_right_logical3A_249 = vector.broadcast %shift_right_logical3A_248 : i32 to vector<16xi32>
        %shift_right_logical3A_250 = arith.shrui %mul3A_247, %shift_right_logical3A_249 : vector<16xi32>
        %shift_left3A = arith.constant 15 : i32
        %shift_left3A_251 = vector.broadcast %shift_left3A : i32 to vector<16xi32>
        %shift_left3A_252 = arith.shli %shift_right_logical3A_250, %shift_left3A_251 : vector<16xi32>
        %shift_left3A_253 = arith.constant 12 : i32
        %shift_left3A_254 = vector.broadcast %shift_left3A_253 : i32 to vector<16xi32>
        %shift_left3A_255 = arith.shli %shift_right_logical3A_250, %shift_left3A_254 : vector<16xi32>
        %add3A_256 = arith.addi %shift_left3A_252, %shift_left3A_255 : vector<16xi32>
        %sub3A = arith.subi %get3A_241, %add3A_256 : vector<16xi32>
        %shift_right_logical3A_257 = arith.constant 5 : i32
        %shift_right_logical3A_258 = vector.broadcast %shift_right_logical3A_257 : i32 to vector<16xi32>
        %shift_right_logical3A_259 = arith.shrui %sub3A, %shift_right_logical3A_258 : vector<16xi32>
        %mul3A_260 = arith.constant 21846 : i32
        %mul3A_261 = vector.broadcast %mul3A_260 : i32 to vector<16xi32>
        %mul3A_262 = arith.muli %shift_right_logical3A_259, %mul3A_261 : vector<16xi32>
        %shift_right_logical3A_263 = arith.constant 16 : i32
        %shift_right_logical3A_264 = vector.broadcast %shift_right_logical3A_263 : i32 to vector<16xi32>
        %shift_right_logical3A_265 = arith.shrui %mul3A_262, %shift_right_logical3A_264 : vector<16xi32>
        %shift_left3A_266 = arith.constant 8 : i32
        %shift_left3A_267 = vector.broadcast %shift_left3A_266 : i32 to vector<16xi32>
        %shift_left3A_268 = arith.shli %shift_right_logical3A_250, %shift_left3A_267 : vector<16xi32>
        %add3A_269 = arith.addi %add3A, %shift_left3A_268 : vector<16xi32>
        %shift_left3A_270 = arith.constant 7 : i32
        %shift_left3A_271 = vector.broadcast %shift_left3A_270 : i32 to vector<16xi32>
        %shift_left3A_272 = arith.shli %shift_right_logical3A_250, %shift_left3A_271 : vector<16xi32>
        %add3A_273 = arith.addi %add3A_269, %shift_left3A_272 : vector<16xi32>
        %add3A_274 = arith.addi %add3A_273, %shift_right_logical3A_265 : vector<16xi32>
        %mul3A_275 = arith.constant 16 : i32
        %mul3A_276 = arith.muli %scan3A_238, %mul3A_275 : i32
        %swap3A = arith.index_cast %mul3A_276 : i32 to index
        %swap3A_277 = tpu.vector_load %arg11[%swap3A] {strides = array<i32>} : memref<9216xi32, #tpu.memory_space<vmem>>, vector<16xi32>,
        %swap3A_278 = vector.shape_cast %swap3A_277 : vector<16xi32> to vector<16xi32>
        %swap3A_279 = vector.shape_cast %add3A_274 : vector<16xi32> to vector<16xi32>
        tpu.vector_store %arg11[%swap3A], %swap3A_279 {strides = array<i32>} : memref<9216xi32, #tpu.memory_space<vmem>>, vector<16xi32>,
        %get3A_280 = arith.index_cast %scan3A_238 : i32 to index
        %get3A_281 = arith.constant 0 : index
        %get3A_282 = tpu.vector_load %arg6[%get3A_280, %get3A_281] {strides = array<i32>} : memref<576x16xf32, #tpu.memory_space<vmem>>, vector<1x16xf32>,
        %get3A_283 = vector.shape_cast %get3A_282 : vector<1x16xf32> to vector<16xf32>
        %mul3A_284 = arith.constant 16 : i32
        %mul3A_285 = arith.muli %scan3A_238, %mul3A_284 : i32
        %swap3A_286 = arith.index_cast %mul3A_285 : i32 to index
        %swap3A_287 = tpu.vector_load %arg10[%swap3A_286] {strides = array<i32>} : memref<9216xf32, #tpu.memory_space<vmem>>, vector<16xf32>,
        %swap3A_288 = vector.shape_cast %swap3A_287 : vector<16xf32> to vector<16xf32>
        %swap3A_289 = vector.shape_cast %get3A_283 : vector<16xf32> to vector<16xf32>
        tpu.vector_store %arg10[%swap3A_286], %swap3A_289 {strides = array<i32>} : memref<9216xf32, #tpu.memory_space<vmem>>, vector<16xf32>,
      }
      %scan3A_176 = arith.constant 576 : i32
      %dma_wait3A_177 = tpu.memref_slice %arg12[%mul3A_13] : memref<1179648xf32, #tpu.memory_space<vmem_shared>> -> memref<73728xf32, #tpu.memory_space<vmem_shared>>
      %dma_wait3A_178 = tpu.memref_slice %arg4[%mul3A_13] : memref<1179648xf32, #tpu.memory_space<hbm>> -> memref<73728xf32, #tpu.memory_space<hbm>>
      tpu.wait_dma2 semaphore(%arg14 : memref<!tpu.dma_semaphore, #tpu.memory_space<semaphore_mem>>) src(%dma_wait3A_178 : memref<73728xf32, #tpu.memory_space<hbm>>) dst(%dma_wait3A_177 : memref<73728xf32, #tpu.memory_space<vmem_shared>>)
      %barrier3A = arith.constant 0 : index
      tpu.barrier barrier_id(%barrier3A)
      "tpu.region"() ({
        %run_scoped3A = tpu.sem_alloc : memref<!tpu.dma_semaphore, #tpu.memory_space<semaphore_mem>>
        %dma_start3A_238 = arith.constant 0 : i32
        %dma_start3A_239 = tpu.memref_slice %arg12[%dma_start3A_238] : memref<1179648xf32, #tpu.memory_space<vmem_shared>> -> memref<1179648xf32, #tpu.memory_space<vmem_shared>>
        tpu.enqueue_indirect_dma source(%arg10 : memref<9216xf32, #tpu.memory_space<vmem>>) target(%dma_start3A_239 : memref<1179648xf32, #tpu.memory_space<vmem_shared>>) offsets(%arg11 : memref<9216xi32, #tpu.memory_space<vmem>>) semaphore(%run_scoped3A : memref<!tpu.dma_semaphore, #tpu.memory_space<semaphore_mem>>) {add = true}
        %dma_wait3A_240 = arith.constant 0 : i32
        %dma_wait3A_241 = tpu.memref_slice %arg12[%dma_wait3A_240] : memref<1179648xf32, #tpu.memory_space<vmem_shared>> -> memref<1179648xf32, #tpu.memory_space<vmem_shared>>
        tpu.wait_indirect_dma semaphore(%run_scoped3A : memref<!tpu.dma_semaphore, #tpu.memory_space<semaphore_mem>>) src(%arg10 : memref<9216xf32, #tpu.memory_space<vmem>>) dst(%dma_wait3A_241 : memref<1179648xf32, #tpu.memory_space<vmem_shared>>)
        tpu.yield
      }) : () -> ()
      %dma_wait3A_179 = arith.constant 0 : i32
      %dma_wait3A_180 = arith.constant 0 : i32
      %dma_wait3A_181 = arith.constant 0 : i32
      %dma_wait3A_182 = tpu.memref_slice %arg9[%dma_wait3A_180, %dma_wait3A_181] : memref<576x16xi32, #tpu.memory_space<vmem>> -> memref<576x8xi32, #tpu.memory_space<vmem>>
      %dma_wait3A_183 = tpu.memref_slice %arg3[%add3A_25, %add3A_84, %dma_wait3A_179, %mul3A_33] : memref<4x18432x2x96xi32, #tpu.memory_space<hbm>> -> memref<1x576x1x8xi32, #tpu.memory_space<hbm>>
      %dma_wait3A_184 = tpu.memref_squeeze %dma_wait3A_183 : memref<1x576x1x8xi32, #tpu.memory_space<hbm>> -> memref<576x8xi32, #tpu.memory_space<hbm>>
      %dma_wait3A_185 = arith.constant 0 : i32
      %dma_wait3A_186 = arith.constant 0 : i32
      %dma_wait3A_187 = tpu.memref_slice %arg9[%dma_wait3A_185, %dma_wait3A_186] : memref<576x16xi32, #tpu.memory_space<vmem>> -> memref<576x8xi32, #tpu.memory_space<vmem>>
      %dma_wait3A_188 = tpu.memref_slice %arg3[%add3A_25, %add3A_84, %dma_wait3A_179, %mul3A_33] : memref<4x18432x2x96xi32, #tpu.memory_space<hbm>> -> memref<1x576x1x8xi32, #tpu.memory_space<hbm>>
      %dma_wait3A_189 = tpu.memref_squeeze %dma_wait3A_188 : memref<1x576x1x8xi32, #tpu.memory_space<hbm>> -> memref<576x8xi32, #tpu.memory_space<hbm>>
      tpu.wait_dma2 semaphore(%arg13 : memref<!tpu.dma_semaphore, #tpu.memory_space<semaphore_mem>>) src(%dma_wait3A_189 : memref<576x8xi32, #tpu.memory_space<hbm>>) dst(%dma_wait3A_187 : memref<576x8xi32, #tpu.memory_space<vmem>>)
      %dma_wait3A_190 = arith.constant 1 : i32
      %dma_wait3A_191 = arith.constant 0 : i32
      %dma_wait3A_192 = arith.constant 8 : i32
      %dma_wait3A_193 = tpu.memref_slice %arg9[%dma_wait3A_191, %dma_wait3A_192] : memref<576x16xi32, #tpu.memory_space<vmem>> -> memref<576x8xi32, #tpu.memory_space<vmem>>
      %dma_wait3A_194 = tpu.memref_slice %arg3[%add3A_25, %add3A_84, %dma_wait3A_190, %mul3A_33] : memref<4x18432x2x96xi32, #tpu.memory_space<hbm>> -> memref<1x576x1x8xi32, #tpu.memory_space<hbm>>
      %dma_wait3A_195 = tpu.memref_squeeze %dma_wait3A_194 : memref<1x576x1x8xi32, #tpu.memory_space<hbm>> -> memref<576x8xi32, #tpu.memory_space<hbm>>
      %dma_wait3A_196 = arith.constant 0 : i32
      %dma_wait3A_197 = arith.constant 8 : i32
      %dma_wait3A_198 = tpu.memref_slice %arg9[%dma_wait3A_196, %dma_wait3A_197] : memref<576x16xi32, #tpu.memory_space<vmem>> -> memref<576x8xi32, #tpu.memory_space<vmem>>
      %dma_wait3A_199 = tpu.memref_slice %arg3[%add3A_25, %add3A_84, %dma_wait3A_190, %mul3A_33] : memref<4x18432x2x96xi32, #tpu.memory_space<hbm>> -> memref<1x576x1x8xi32, #tpu.memory_space<hbm>>
      %dma_wait3A_200 = tpu.memref_squeeze %dma_wait3A_199 : memref<1x576x1x8xi32, #tpu.memory_space<hbm>> -> memref<576x8xi32, #tpu.memory_space<hbm>>
      tpu.wait_dma2 semaphore(%arg13 : memref<!tpu.dma_semaphore, #tpu.memory_space<semaphore_mem>>) src(%dma_wait3A_200 : memref<576x8xi32, #tpu.memory_space<hbm>>) dst(%dma_wait3A_198 : memref<576x8xi32, #tpu.memory_space<vmem>>)
      %dma_wait3A_201 = arith.constant 0 : i32
      %dma_wait3A_202 = arith.constant 0 : i32
      %dma_wait3A_203 = arith.constant 0 : i32
      %dma_wait3A_204 = tpu.memref_slice %arg8[%dma_wait3A_202, %dma_wait3A_203] : memref<576x16xf32, #tpu.memory_space<vmem>> -> memref<576x8xf32, #tpu.memory_space<vmem>>
      %dma_wait3A_205 = tpu.memref_slice %arg2[%add3A_25, %add3A_84, %dma_wait3A_201, %mul3A_33] : memref<4x18432x2x96xf32, #tpu.memory_space<hbm>> -> memref<1x576x1x8xf32, #tpu.memory_space<hbm>>
      %dma_wait3A_206 = tpu.memref_squeeze %dma_wait3A_205 : memref<1x576x1x8xf32, #tpu.memory_space<hbm>> -> memref<576x8xf32, #tpu.memory_space<hbm>>
      %dma_wait3A_207 = arith.constant 0 : i32
      %dma_wait3A_208 = arith.constant 0 : i32
      %dma_wait3A_209 = tpu.memref_slice %arg8[%dma_wait3A_207, %dma_wait3A_208] : memref<576x16xf32, #tpu.memory_space<vmem>> -> memref<576x8xf32, #tpu.memory_space<vmem>>
      %dma_wait3A_210 = tpu.memref_slice %arg2[%add3A_25, %add3A_84, %dma_wait3A_201, %mul3A_33] : memref<4x18432x2x96xf32, #tpu.memory_space<hbm>> -> memref<1x576x1x8xf32, #tpu.memory_space<hbm>>
      %dma_wait3A_211 = tpu.memref_squeeze %dma_wait3A_210 : memref<1x576x1x8xf32, #tpu.memory_space<hbm>> -> memref<576x8xf32, #tpu.memory_space<hbm>>
      tpu.wait_dma2 semaphore(%arg13 : memref<!tpu.dma_semaphore, #tpu.memory_space<semaphore_mem>>) src(%dma_wait3A_211 : memref<576x8xf32, #tpu.memory_space<hbm>>) dst(%dma_wait3A_209 : memref<576x8xf32, #tpu.memory_space<vmem>>)
      %dma_wait3A_212 = arith.constant 1 : i32
      %dma_wait3A_213 = arith.constant 0 : i32
      %dma_wait3A_214 = arith.constant 8 : i32
      %dma_wait3A_215 = tpu.memref_slice %arg8[%dma_wait3A_213, %dma_wait3A_214] : memref<576x16xf32, #tpu.memory_space<vmem>> -> memref<576x8xf32, #tpu.memory_space<vmem>>
      %dma_wait3A_216 = tpu.memref_slice %arg2[%add3A_25, %add3A_84, %dma_wait3A_212, %mul3A_33] : memref<4x18432x2x96xf32, #tpu.memory_space<hbm>> -> memref<1x576x1x8xf32, #tpu.memory_space<hbm>>
      %dma_wait3A_217 = tpu.memref_squeeze %dma_wait3A_216 : memref<1x576x1x8xf32, #tpu.memory_space<hbm>> -> memref<576x8xf32, #tpu.memory_space<hbm>>
      %dma_wait3A_218 = arith.constant 0 : i32
      %dma_wait3A_219 = arith.constant 8 : i32
      %dma_wait3A_220 = tpu.memref_slice %arg8[%dma_wait3A_218, %dma_wait3A_219] : memref<576x16xf32, #tpu.memory_space<vmem>> -> memref<576x8xf32, #tpu.memory_space<vmem>>
      %dma_wait3A_221 = tpu.memref_slice %arg2[%add3A_25, %add3A_84, %dma_wait3A_212, %mul3A_33] : memref<4x18432x2x96xf32, #tpu.memory_space<hbm>> -> memref<1x576x1x8xf32, #tpu.memory_space<hbm>>
      %dma_wait3A_222 = tpu.memref_squeeze %dma_wait3A_221 : memref<1x576x1x8xf32, #tpu.memory_space<hbm>> -> memref<576x8xf32, #tpu.memory_space<hbm>>
      tpu.wait_dma2 semaphore(%arg13 : memref<!tpu.dma_semaphore, #tpu.memory_space<semaphore_mem>>) src(%dma_wait3A_222 : memref<576x8xf32, #tpu.memory_space<hbm>>) dst(%dma_wait3A_220 : memref<576x8xf32, #tpu.memory_space<vmem>>)
      %scan3A_223 = arith.constant 0 : i32
      %scan3A_224 = arith.constant 576 : i32
      %scan3A_225 = arith.addi %scan3A_223, %scan3A_224 : i32
      %scan3A_226 = arith.constant 1 : i32
      scf.for %scan3A_238 = %scan3A_223 to %scan3A_225 step %scan3A_226  : i32 {
        %get3A = arith.index_cast %scan3A_238 : i32 to index
        %get3A_239 = arith.constant 0 : index
        %get3A_240 = tpu.vector_load %arg9[%get3A, %get3A_239] {strides = array<i32>} : memref<576x16xi32, #tpu.memory_space<vmem>>, vector<1x16xi32>,
        %get3A_241 = vector.shape_cast %get3A_240 : vector<1x16xi32> to vector<16xi32>
        %shift_right_logical3A_242 = arith.constant 12 : i32
        %shift_right_logical3A_243 = vector.broadcast %shift_right_logical3A_242 : i32 to vector<16xi32>
        %shift_right_logical3A_244 = arith.shrui %get3A_241, %shift_right_logical3A_243 : vector<16xi32>
        %mul3A_245 = arith.constant 7282 : i32
        %mul3A_246 = vector.broadcast %mul3A_245 : i32 to vector<16xi32>
        %mul3A_247 = arith.muli %shift_right_logical3A_244, %mul3A_246 : vector<16xi32>
        %shift_right_logical3A_248 = arith.constant 16 : i32
        %shift_right_logical3A_249 = vector.broadcast %shift_right_logical3A_248 : i32 to vector<16xi32>
        %shift_right_logical3A_250 = arith.shrui %mul3A_247, %shift_right_logical3A_249 : vector<16xi32>
        %shift_left3A = arith.constant 15 : i32
        %shift_left3A_251 = vector.broadcast %shift_left3A : i32 to vector<16xi32>
        %shift_left3A_252 = arith.shli %shift_right_logical3A_250, %shift_left3A_251 : vector<16xi32>
        %shift_left3A_253 = arith.constant 12 : i32
        %shift_left3A_254 = vector.broadcast %shift_left3A_253 : i32 to vector<16xi32>
        %shift_left3A_255 = arith.shli %shift_right_logical3A_250, %shift_left3A_254 : vector<16xi32>
        %add3A_256 = arith.addi %shift_left3A_252, %shift_left3A_255 : vector<16xi32>
        %sub3A = arith.subi %get3A_241, %add3A_256 : vector<16xi32>
        %shift_right_logical3A_257 = arith.constant 5 : i32
        %shift_right_logical3A_258 = vector.broadcast %shift_right_logical3A_257 : i32 to vector<16xi32>
        %shift_right_logical3A_259 = arith.shrui %sub3A, %shift_right_logical3A_258 : vector<16xi32>
        %mul3A_260 = arith.constant 21846 : i32
        %mul3A_261 = vector.broadcast %mul3A_260 : i32 to vector<16xi32>
        %mul3A_262 = arith.muli %shift_right_logical3A_259, %mul3A_261 : vector<16xi32>
        %shift_right_logical3A_263 = arith.constant 16 : i32
        %shift_right_logical3A_264 = vector.broadcast %shift_right_logical3A_263 : i32 to vector<16xi32>
        %shift_right_logical3A_265 = arith.shrui %mul3A_262, %shift_right_logical3A_264 : vector<16xi32>
        %shift_left3A_266 = arith.constant 8 : i32
        %shift_left3A_267 = vector.broadcast %shift_left3A_266 : i32 to vector<16xi32>
        %shift_left3A_268 = arith.shli %shift_right_logical3A_250, %shift_left3A_267 : vector<16xi32>
        %add3A_269 = arith.addi %add3A, %shift_left3A_268 : vector<16xi32>
        %shift_left3A_270 = arith.constant 7 : i32
        %shift_left3A_271 = vector.broadcast %shift_left3A_270 : i32 to vector<16xi32>
        %shift_left3A_272 = arith.shli %shift_right_logical3A_250, %shift_left3A_271 : vector<16xi32>
        %add3A_273 = arith.addi %add3A_269, %shift_left3A_272 : vector<16xi32>
        %add3A_274 = arith.addi %add3A_273, %shift_right_logical3A_265 : vector<16xi32>
        %mul3A_275 = arith.constant 16 : i32
        %mul3A_276 = arith.muli %scan3A_238, %mul3A_275 : i32
        %swap3A = arith.index_cast %mul3A_276 : i32 to index
        %swap3A_277 = tpu.vector_load %arg11[%swap3A] {strides = array<i32>} : memref<9216xi32, #tpu.memory_space<vmem>>, vector<16xi32>,
        %swap3A_278 = vector.shape_cast %swap3A_277 : vector<16xi32> to vector<16xi32>
        %swap3A_279 = vector.shape_cast %add3A_274 : vector<16xi32> to vector<16xi32>
        tpu.vector_store %arg11[%swap3A], %swap3A_279 {strides = array<i32>} : memref<9216xi32, #tpu.memory_space<vmem>>, vector<16xi32>,
        %get3A_280 = arith.index_cast %scan3A_238 : i32 to index
        %get3A_281 = arith.constant 0 : index
        %get3A_282 = tpu.vector_load %arg8[%get3A_280, %get3A_281] {strides = array<i32>} : memref<576x16xf32, #tpu.memory_space<vmem>>, vector<1x16xf32>,
        %get3A_283 = vector.shape_cast %get3A_282 : vector<1x16xf32> to vector<16xf32>
        %mul3A_284 = arith.constant 16 : i32
        %mul3A_285 = arith.muli %scan3A_238, %mul3A_284 : i32
        %swap3A_286 = arith.index_cast %mul3A_285 : i32 to index
        %swap3A_287 = tpu.vector_load %arg10[%swap3A_286] {strides = array<i32>} : memref<9216xf32, #tpu.memory_space<vmem>>, vector<16xf32>,
        %swap3A_288 = vector.shape_cast %swap3A_287 : vector<16xf32> to vector<16xf32>
        %swap3A_289 = vector.shape_cast %get3A_283 : vector<16xf32> to vector<16xf32>
        tpu.vector_store %arg10[%swap3A_286], %swap3A_289 {strides = array<i32>} : memref<9216xf32, #tpu.memory_space<vmem>>, vector<16xf32>,
      }
      %scan3A_227 = arith.constant 576 : i32
      "tpu.region"() ({
        %run_scoped3A = tpu.sem_alloc : memref<!tpu.dma_semaphore, #tpu.memory_space<semaphore_mem>>
        %dma_start3A_238 = arith.constant 0 : i32
        %dma_start3A_239 = tpu.memref_slice %arg12[%dma_start3A_238] : memref<1179648xf32, #tpu.memory_space<vmem_shared>> -> memref<1179648xf32, #tpu.memory_space<vmem_shared>>
        tpu.enqueue_indirect_dma source(%arg10 : memref<9216xf32, #tpu.memory_space<vmem>>) target(%dma_start3A_239 : memref<1179648xf32, #tpu.memory_space<vmem_shared>>) offsets(%arg11 : memref<9216xi32, #tpu.memory_space<vmem>>) semaphore(%run_scoped3A : memref<!tpu.dma_semaphore, #tpu.memory_space<semaphore_mem>>) {add = true}
        %dma_wait3A_240 = arith.constant 0 : i32
        %dma_wait3A_241 = tpu.memref_slice %arg12[%dma_wait3A_240] : memref<1179648xf32, #tpu.memory_space<vmem_shared>> -> memref<1179648xf32, #tpu.memory_space<vmem_shared>>
        tpu.wait_indirect_dma semaphore(%run_scoped3A : memref<!tpu.dma_semaphore, #tpu.memory_space<semaphore_mem>>) src(%arg10 : memref<9216xf32, #tpu.memory_space<vmem>>) dst(%dma_wait3A_241 : memref<1179648xf32, #tpu.memory_space<vmem_shared>>)
        tpu.yield
      }) : () -> ()
      %barrier3A_228 = arith.constant 0 : index
      tpu.barrier barrier_id(%barrier3A_228)
      %barrier3A_229 = arith.constant 0 : index
      tpu.barrier barrier_id(%barrier3A_229)
      %mul3A_230 = arith.constant 24 : i32
      %mul3A_231 = arith.muli %add3A_25, %mul3A_230 : i32
      %mul3A_232 = arith.constant 2 : i32
      %mul3A_233 = arith.muli %mul3A_232, %scan3A_31 : i32
      %add3A_234 = arith.addi %mul3A_231, %mul3A_233 : i32
      %mul3A_235 = arith.constant 589824 : i32
      %mul3A_236 = arith.muli %add3A_234, %mul3A_235 : i32
      %add3A_237 = arith.addi %mul3A_236, %mul3A_13 : i32
      "tpu.region"() ({
        %run_scoped3A = tpu.sem_alloc : memref<!tpu.dma_semaphore, #tpu.memory_space<semaphore_mem>>
        %dma_start3A_238 = tpu.memref_slice %arg5[%add3A_237] : memref<56623104xf32, #tpu.memory_space<hbm>> -> memref<73728xf32, #tpu.memory_space<hbm>>
        %dma_start3A_239 = tpu.memref_slice %arg12[%mul3A_13] : memref<1179648xf32, #tpu.memory_space<vmem_shared>> -> memref<73728xf32, #tpu.memory_space<vmem_shared>>
        tpu.enqueue_dma source(%dma_start3A_239 : memref<73728xf32, #tpu.memory_space<vmem_shared>>) target(%dma_start3A_238 : memref<73728xf32, #tpu.memory_space<hbm>>) target_semaphore(%run_scoped3A : memref<!tpu.dma_semaphore, #tpu.memory_space<semaphore_mem>>)
        %dma_wait3A_240 = tpu.memref_slice %arg5[%add3A_237] : memref<56623104xf32, #tpu.memory_space<hbm>> -> memref<73728xf32, #tpu.memory_space<hbm>>
        %dma_wait3A_241 = tpu.memref_slice %arg12[%mul3A_13] : memref<1179648xf32, #tpu.memory_space<vmem_shared>> -> memref<73728xf32, #tpu.memory_space<vmem_shared>>
        tpu.wait_dma2 semaphore(%run_scoped3A : memref<!tpu.dma_semaphore, #tpu.memory_space<semaphore_mem>>) src(%dma_wait3A_241 : memref<73728xf32, #tpu.memory_space<vmem_shared>>) dst(%dma_wait3A_240 : memref<73728xf32, #tpu.memory_space<hbm>>)
        tpu.yield
      }) : () -> ()
    }
    %scan3A_30 = arith.constant 12 : i32
    return
  }
}

module attributes {stable_mosaic.version = 14 : i64} {
  func.func @_interleave_body(%arg0: i32, %arg1: i32, %arg2: memref<1x96x1024xf32, #tpu.memory_space<vmem>>, %arg3: memref<1x1024x96xf32, #tpu.memory_space<vmem>>) attributes {dimension_semantics = [#tpu.dimension_semantics<arbitrary>, #tpu.dimension_semantics<arbitrary>], iteration_bounds = array<i64: 4, 144>, scalar_prefetch = 0 : i64, scratch_operands = 0 : i64, tpu.core_type = #tpu.core_type<tc>, window_params = [{transform_indices = @transform_0, window_bounds = array<i64: 1, 96, 1024>}, {transform_indices = @transform_1, window_bounds = array<i64: 1, 1024, 96>}]} {
    %get3A = arith.constant 0 : index
    %get3A_0 = arith.constant 0 : index
    %get3A_1 = arith.constant 0 : index
    %get3A_2 = vector.load %arg2[%get3A, %get3A_0, %get3A_1] : memref<1x96x1024xf32, #tpu.memory_space<vmem>>, vector<1x96x1024xf32>
    %transpose3A = tpu.transpose %get3A_2, [0, 2, 1] : vector<1x96x1024xf32> -> vector<1x1024x96xf32>
    %swap3A = arith.constant 0 : index
    %swap3A_3 = arith.constant 0 : index
    %swap3A_4 = arith.constant 0 : index
    %swap3A_5 = vector.load %arg3[%swap3A, %swap3A_3, %swap3A_4] : memref<1x1024x96xf32, #tpu.memory_space<vmem>>, vector<1x1024x96xf32>
    tpu.vector_store %arg3[%swap3A, %swap3A_3, %swap3A_4], %transpose3A {strides = array<i32>} : memref<1x1024x96xf32, #tpu.memory_space<vmem>>, vector<1x1024x96xf32>,
    return
  }
  func.func @transform_0(%arg0: i32, %arg1: i32) -> (i32, i32, i32) {
    %c0_i32 = arith.constant 0 : i32
    %c0_i32_0 = arith.constant 0 : i32
    return %arg0, %c0_i32, %arg1 : i32, i32, i32
  }
  func.func @transform_1(%arg0: i32, %arg1: i32) -> (i32, i32, i32) {
    %c0_i32 = arith.constant 0 : i32
    %c0_i32_0 = arith.constant 0 : i32
    return %arg0, %arg1, %c0_i32 : i32, i32, i32
  }
}

</mosaic_0001>

<sc_bundles>
// kernel: kernel.4.cloned.1.call-start
scs
__scs_entry_jumppad:
0x0: {  	(pc) =	sbr.rel $0x88, $3  }
0x1: {  	(tag) =	ssettag $0x0;
	lr =	simm.s32 $0x1  }
0x2: {  	[smem:$0x3F9F] =	sst lr;
	_ =	strace $0xD0000000  }
0x3: {  	_ = 	snop  }
0x4: {  	_ = 	snop  }
0x5: {  	_ = 	snop  }
0x6: {  	_ = 	snop  }
0x7: {  	_ = 	snop  }
__scs_overlays_trampoline_lowered:
0x8: {  	[smem:$0x3FAE] =	sst s0  }
0x9: {  	[smem:$0x3FAF] =	sst s1  }
0xa: {  	[smem:$0x3FB0] =	sst s2  }
0xb: {  	[smem:$0x3FB1] =	sst s3  }
0xc: {  	[smem:$0x3FB2] =	sst s4  }
0xd: {  	[smem:$0x3FB3] =	sst s5  }
0xe: {  	[smem:$0x3FB4] =	sst s6  }
0xf: {  	[smem:$0x3FB5] =	sst s7  }
0x10: {  	[smem:$0x3FB6] =	sst s8  }
0x11: {  	[smem:$0x3FB7] =	sst s9;
	s0 =	simm.s32 @!p0 $0x0  }
0x12: {  	s1 =	sld [smem:$0x3F9D];
	s0 =	simm.s32 @p0 $0x1  }
0x13: {  	[smem:$0x3FB8] =	sst s0;
	s0 =	simm.s32 @!p1 $0x0  }
0x14: {  	s2 =	sld [smem:$0x3F9C];
	s0 =	simm.s32 @p1 $0x1  }
0x15: {  	[smem:$0x3FB9] =	sst s0;
	s0 =	simm.s32 @!p2 $0x0  }
0x16: {  	s3 =	sld [smem:$0x3FDB];
	s0 =	simm.s32 @p2 $0x1  }
0x17: {  	s4 =	simm.s32 $0x1BF5;
	[smem:$0x3FBB] =	sst s0  }
0x18: {  	s0 =	sld [smem:$0x3F9E];
	_ =	swait.ge [sflag:s4], $0x0  }
0x19: {  	s7 =	sld [smem:$0x3F9F]  }
0x1a: {  	s8 =	sadd.s32 $0xFFFFE003, lr  }
0x1b: {  	s9 =	sadd.s32 $0xFFFFFEF7, lr;
	s5 =	simm.s32 $0xFFFFFFFF;
	p2 =	slt.u32 s8, $0xFFFFF086  }
0x1c: {  	p1 =	slt.u32 s9, $0xF7A;
	s5 =	simm.s32 @!p2 $0x0  }
0x1d: {  	s5 =	simm.s32 @p1 $0x1;
	p0 =	seq.s32 s7, s2  }
0x1e: {  	s7 =	smul.u32 @!p0 $0xF7A, s2;
	p2 =	seq.s32 @!p0 s5, $0x0  }
0x1f: {  	s9 =	smul.u32 $0xF7A, s1;
	s8 =	simm.s32 @!p0 $0x1BF5;
	p2 =	por !p2, p0  }
0x20: {  	[sflag:s8] =	ssyncset.s32 @!p0 $0xFFFFF086;
	s6 =	sadd.s32 @!p0 s3, s7;
	s7 =	simm.s32 @!p0 $0x108  }
0x21: {  	s3 =	sadd.s32 s3, s9;
	s6 =	sadd.s32 @!p0 $0x88, s6;
	s7 =	simm.s32 @p2 $0x1082  }
0x22: {  	[simem:s7], [sflag:s8] =	dma.local @!p0 [hbm:s6], $0xF7A  }
0x23: {  	s9 =	sor.u32 $0xD0000000, s2;
	s6 =	simm.s32 $0x108;
	_ =	swait.ge @!p0 [sflag:s8], $0x0  }
0x24: {  	s3 =	sadd.s32 $0x88, s3;
	s6 =	simm.s32 @!p1 $0x1082;
	[sflag:s4] =	ssyncset.s32 $0xFFFFF086  }
0x25: {  	[simem:s6], [sflag:s4] =	dma.local [hbm:s3], $0xF7A  }
0x26: {  	[smem:$0x3F9F] =	sst s1;
	(tag) =	ssettag s2;
	_ =	strace s9  }
0x27: {  	s1 =	sld [smem:$0x3FAF]  }
0x28: {  	s2 =	sld [smem:$0x3FB0]  }
0x29: {  	s4 =	sld [smem:$0x3FB2]  }
0x2a: {  	p0 =	seq.s32 s5, $0x0;
	s5 =	sld [smem:$0x3FB3]  }
0x2b: {  	s6 =	sld [smem:$0x3FB4]  }
0x2c: {  	s7 =	sld [smem:$0x3FB5]  }
0x2d: {  	s3 =	simm.s32 $0x108;
	s8 =	sld [smem:$0x3FB6]  }
0x2e: {  	s3 =	simm.s32 @!p0 $0x1082;
	s9 =	sld [smem:$0x3FB7]  }
0x2f: {  	lr =	sadd.s32 s0, s3;
	s0 =	sld [smem:$0x3FAE]  }
0x30: {  	s3 =	sld [smem:$0x3FB1]  }
0x31: {  	[smem:$0x3FBA] =	sst s10  }
0x32: {  	s10 =	sld [smem:$0x3FB8];
	_ =	sdelay $0x3  }
0x33: {  	p0 =	seq.s32 s10, $0x1;
	s10 =	sld [smem:$0x3FBA];
	_ =	sdelay $0x3  }
0x34: {  	[smem:$0x3FBA] =	sst s10  }
0x35: {  	s10 =	sld [smem:$0x3FB9];
	_ =	sdelay $0x3  }
0x36: {  	p1 =	seq.s32 s10, $0x1;
	s10 =	sld [smem:$0x3FBA];
	_ =	sdelay $0x3  }
0x37: {  	[smem:$0x3FBA] =	sst s10  }
0x38: {  	s10 =	sld [smem:$0x3FBB]  }
0x39: {  	_ = 	snop;
	(pc) =	sbr.ind lr, $3  }
0x3a: {  	_ = 	snop  }
0x3b: {  	_ = 	snop  }
0x3c: {  	p2 =	seq.s32 s10, $0x1;
	s10 =	sld [smem:$0x3FBA]  }
0x3d: {  	_ =	shalt  }
0x3e: {  	_ =	shalt  }
0x3f: {  	_ =	shalt  }
0x40: {  	_ =	shalt  }
0x41: {  	_ =	shalt  }
0x42: {  	_ =	shalt  }
0x43: {  	_ =	shalt  }
0x44: {  	_ =	shalt  }
0x45: {  	_ =	shalt  }
0x46: {  	_ =	shalt  }
0x47: {  	_ =	shalt  }
0x48: {  	_ =	shalt  }
0x49: {  	_ =	shalt  }
0x4a: {  	_ =	shalt  }
0x4b: {  	_ =	shalt  }
0x4c: {  	_ =	shalt  }
0x4d: {  	_ =	shalt  }
0x4e: {  	_ =	shalt  }
0x4f: {  	_ =	shalt  }
0x50: {  	_ =	shalt  }
0x51: {  	_ =	shalt  }
0x52: {  	_ =	shalt  }
0x53: {  	_ =	shalt  }
0x54: {  	_ =	shalt  }
0x55: {  	_ =	shalt  }
0x56: {  	_ =	shalt  }
0x57: {  	_ =	shalt  }
0x58: {  	_ =	shalt  }
0x59: {  	_ =	shalt  }
0x5a: {  	_ =	shalt  }
0x5b: {  	_ =	shalt  }
0x5c: {  	_ =	shalt  }
0x5d: {  	_ =	shalt  }
0x5e: {  	_ =	shalt  }
0x5f: {  	_ =	shalt  }
0x60: {  	_ =	shalt  }
0x61: {  	_ =	shalt  }
0x62: {  	_ =	shalt  }
0x63: {  	_ =	shalt  }
0x64: {  	_ =	shalt  }
0x65: {  	_ =	shalt  }
0x66: {  	_ =	shalt  }
0x67: {  	_ =	shalt  }
0x68: {  	_ =	shalt  }
0x69: {  	_ =	shalt  }
0x6a: {  	_ =	shalt  }
0x6b: {  	_ =	shalt  }
0x6c: {  	_ =	shalt  }
0x6d: {  	_ =	shalt  }
0x6e: {  	_ =	shalt  }
0x6f: {  	_ =	shalt  }
0x70: {  	_ =	shalt  }
0x71: {  	_ =	shalt  }
0x72: {  	_ =	shalt  }
0x73: {  	_ =	shalt  }
0x74: {  	_ =	shalt  }
0x75: {  	_ =	shalt  }
0x76: {  	_ =	shalt  }
0x77: {  	_ =	shalt  }
0x78: {  	_ =	shalt  }
0x79: {  	_ =	shalt  }
0x7a: {  	_ =	shalt  }
0x7b: {  	_ =	shalt  }
0x7c: {  	_ =	shalt  }
0x7d: {  	_ =	shalt  }
0x7e: {  	_ =	shalt  }
0x7f: {  	_ =	shalt  }
0x80: {  	_ =	shalt  }
0x81: {  	_ =	shalt  }
0x82: {  	_ =	shalt  }
0x83: {  	_ =	shalt  }
0x84: {  	_ =	shalt  }
0x85: {  	_ =	shalt  }
0x86: {  	_ =	shalt  }
0x87: {  	_ =	shalt  }
.Lfunc_end0:
.L_simem_size_0:
called_computation.1_lowered:
.L_overlay_start_0:
0x88: {  	s2 =	sld [smem:$0x3FD9]  }
0x89: {  	s3 =	sld [smem:$0x3FFE];
	_ =	sdelay $0x1  }
0x8a: {  	s1 =	srdreg.scid  }
0x8b: {  	s0 =	sand.u32 $0x1, s1  }
0x8c: {  	s17 =	sshll.u32 s0, $0xA;
	s2 =	sadd.s32 s3, s2  }
0x8d: {  	s2 =	sadd.s32 s2, s17  }
0x8e: {  	[smem:$0x3FC6] =	sst s2  }
0x8f: {  	_ = 	snop  }
0x90: {  	s2 =	sld [smem:$0x3FD0];
	(tm) =	ssettm $0x1  }
0x91: {  	s18 =	sld [smem:$0x3FFB];
	_ =	sdelay $0x3  }
0x92: {  	_ =	strace s18  }
0x93: {  	s3 =	sld [smem:$0x3FFC];
	_ =	sdelay $0x3  }
0x94: {  	_ =	strace s3  }
0x95: {  	s3 =	sld [smem:$0x3FFD];
	_ =	sdelay $0x3  }
0x96: {  	_ =	strace s3  }
0x97: {  	_ =	strace $0x8FFFFFFF  }
0x98: {  	s19 =	sld [smem:$0x3FDB];
	_ =	sdelay $0x1  }
0x99: {  	s4 =	simm.s32 $_scs_section_size  }
0x9a: {  	s5 =	simm.s32 $_size__tile_overlayer_lowered;
	s6 =	simm.s32 $_tile_overlayer_lowered  }
0x9b: {  	s22 =	simm.s32 $0x1BFF;
	s21 =	sshll.u32 s6, $0x1;
	s3 =	sadd.s32 s4, s19  }
0x9c: {  	s7 =	simm.s32 $0x0;
	s20 =	sshll.u32 s5, $0x1;
	s5 =	sadd.s32 s21, s3  }
0x9d: {  	[timem:s7], [sflag:s22] =	dma.local [hbm:s5], s20  }
0x9e: {  	_ =	swait.ge [sflag:s22], s20  }
0x9f: {  	s4 =	ssub.s32 $0x0, s20;
	[sflag:s22] =	ssyncset.done $0x0  }
0xa0: {  	[sflag:s22] =	ssyncadd.s32 s4;
	_ =	sdelay $0x1  }
0xa1: {  	s23 =	simm.s32 $0x1B8B  }
0xa2: {  	_ =	swait.ge [sflag:s23], $0x1  }
0xa3: {  	[sflag:s23] =	ssyncset.done $0x0  }
0xa4: {  	s25 =	simm.s32 $0x1B8E;
	s24 =	sld [smem:$0x3FFE];
	[sflag:s23] =	ssyncadd.s32 $0xFFFFFFFF  }
0xa5: {  	s26 =	simm.s32 $execute0_lowered;
	[smem:$0x3FD2] =	sst s25  }
0xa6: {  	s5 =	sshll.u32 s26, $0x1;
	_ =	strace $0x80000046;
	[dreg:$0x1] =	wrdreg $0xFFFFFFFF  }
0xa7: {  	s28 =	simm.s32 $_size_execute0_lowered;
	s3 =	sadd.s32 s3, s5;
	[dreg:$0x0] =	wrdreg $0x0  }
0xa8: {  	s5 =	sshll.u32 s28, $0x1;
	[dreg:$0x2] =	wrdreg s3  }
0xa9: {  	[dreg:$0x3] =	wrdreg s5  }
0xaa: {  	[dreg:$0x4] =	wrdreg $0xC0  }
0xab: {  	_ =	task [dreg:s7], $0x5FFFF  }
0xac: {  	[dreg:$0x1] =	wrdreg $0xFFFFFFFF  }
0xad: {  	[dreg:$0x0] =	wrdreg $0x60  }
0xae: {  	[dreg:$0x2] =	wrdreg s2  }
0xaf: {  	[dreg:$0x3] =	wrdreg s24  }
0xb0: {  	[dreg:$0x4] =	wrdreg $0xD8000  }
0xb1: {  	[dreg:$0x5] =	wrdreg $0x9  }
0xb2: {  	_ =	task.clear_ibuf [dreg:s7], $0x6FFFF;
	_ =	strace $0x90000046  }
0xb3: {  	s29 =	simm.s32 $0x9;
	_ =	strace $0x80000048  }
0xb4: {  	_ =	swait.ge [sflag:s29], $0x1  }
0xb5: {  	[sflag:s29] =	ssyncadd.s32 $0xFFFFFFFF  }
0xb6: {  	_ =	strace $0x90000048  }
0xb7: {  	_ =	sfence  }
0xb8: {  	s30 =	sld [smem:$0x0];
	_ =	sdelay $0x2  }
0xb9: {  	s31 =	sshll.u32 s1, $0xD;
	s1 =	sshrl.u32 s1, $0x2  }
0xba: {  	s3 =	sand.u32 $0x4000, s31;
	s1 =	sadd.s32 s1, s30  }
0xbb: {  	s0 =	sor.u32 s3, s0;
	s1 =	sshll.u32 s1, $0x11  }
0xbc: {  	s0 =	sor.u32 s1, s0  }
0xbd: {  	s0 =	sadd.s32 $0x8F2B, s0  }
0xbe: {  	[sflag:s0] =	ssyncadd.remote.s32 $0x1  }
0xbf: {  	_ =	sfence.sel $0xFFFF  }
0xc0: {  	[dreg:$0x0] =	wrdreg $0xFFFFFFFF;
	(pc) =	sbr.abs _section_cstart, $3  }
0xc1: {  	[dreg:$0x1] =	wrdreg $0xFFFFFFFF  }
0xc2: {  	_ =	task.clear_ibuf [dreg:s7], $0x2FFFF;
	_ =	strace $0x9FFFFFFF  }
0xc3: {  	(tm) =	ssettm $0x7FFFFFFF  }
tec
execute0_lowered:
.L_overlay_start_1:
0x0: {  	(tag) =	ssettag $0x1  }
0x1: {  	s1 =	rddreg [dreg:$0x0]  }
0x2: {  	s0 =	rddreg [dreg:$0x1]  }
0x3: {  	s3 =	rddreg [dreg:$0x2];
	s4 =	simm.s32 $0x0  }
0x4: {  	s15 =	stileid.u32;
	s6 =	srdreg.scid;
	s18 =	simm.s32 $0x1  }
0x5: {  	s19 =	simm.s32 $0x2;
	s20 =	simm.s32 $0x2400;
	s21 =	simm.s32 $0xB400  }
0x6: {  	s22 =	simm.s32 $0x9000;
	s23 =	simm.s32 $0x3;
	s2 =	smul.u32 $0x12000, s15  }
0x7: {  	[smem:$0x7FF] =	sst s4;
	s8 =	sand.u32 $0x1, s6;
	s12 =	smul.u32 $0x36000, s15  }
0x8: {  	s5 =	sadd.s32 $0x800, s0;
	s6 =	sadd.s32 $0x1D4800, s0;
	s13 =	smul.u32 $0x1B00000, s8  }
0x9: {  	_ =	strace $0x80000047;
	s9 =	ssub.s32 $0x2, s8;
	s10 =	smul.u32 $0x6C0000, s8  }
0xa: {  	s11 =	sshllo.u32 s8, $0x1;
	s8 =	sshll.u32 s15, $0x6;
	s7 =	sshrl.u32 s2, $0x3  }
0xb: {  	s30 =	sshrl.u32 s9, $0x1;
	s16 =	sadd.s32 s2, s3;
	s14 =	smul.u32 $0x360000, s11  }
0xc: {  	s31 =	smul.u32 $0xD80000, s11;
	s7 =	sadd.s32 s7, s0;
	s0 =	ssub.s32 s9, s30  }
0xd: {  	v0 =	vlaneseq.u32;
	s9 =	sadd.s32 s12, s10;
	s10 =	sor.u32 $0x1C02, s8;
	s13 =	sadd.s32 s2, s13  }
0xe: {  	v0 =	vand.u32 $0x7, v0;
	s17 =	sshrl.u32 s16, $0x3;
	s7 =	sadd.s32 $0x1B0800, s7;
	s11 =	sadd.s32 $0x1B000, s9  }
0xf: {  	v0 =	vmul.u32 $0x24000, v0;
	s12 =	sadd.s32 s12, s14;
	s15 =	sadd.s32 s2, s31;
	s0 =	smax.u32 s0, $0x1  }
0x10: {  	s2 =	simm.s32 $0x0;
	s14 =	sadd.s32 $0x1B000, s12;
	[dreg:$0x4] =	wrdreg s0  }
.LBB2_1:
0x11: {  	[dreg:$0x5] =	wrdreg s2;
	s26 =	simm.s32 $0x0  }
.LBB2_2:
0x12: {  	[spmem:s17], [sflag:s10] =	dma.local [hbm:s7], $0x2400  }
0x13: {  	s25 =	sshll.u32 s26, $0x3  }
0x14: {  	s0 =	sadd.s32 s9, s25  }
0x15: {  	s28 =	sshrl.u32 s0, $0x3  }
0x16: {  	s30 =	simm.s32 $0x2400;
	s29 =	sadd.s32 s5, s28  }
0x17: {  	s2 =	simm.s32 $0x2410;
	s0 =	simm.s32 $0x18;
	s16 =	sadd.s32 $0x0, s29  }
.LBB2_3:
0x18: {  	[tilespmem:s30], [sflag:$0x1] =	stream.linear.gather [hbm4b:s16+s4], $0x8, $0x38;
	[tilespmem:$0x1F800] =	vst v63  }
0x19: {  	s16 =	smov.u32 s0;
	s30 =	smov.u32 s2;
	p0 =	sne.s32 s0, $0x35E8  }
.Ltmp0:
0x1a: {  	s0 =	sadd.s32 $0x18, s0;
	(pc) =	sbr.rel @p0 .LBB2_3-.Ltmp0, $2  }
0x1b: {  	_ =	sdelay $0x2  }
0x1c: {  	s2 =	sadd.s32 $0x10, s2;
	s16 =	sadd.s32 s16, s29  }
0x1d: {  	[tilespmem:s30], [sflag:$0x1] =	stream.linear.gather [hbm4b:s16+s4], $0x8, $0x38;
	[tilespmem:$0x1F800] =	vst v63  }
0x1e: {  	s29 =	sadd.s32 $0xC, s28  }
0x1f: {  	s31 =	simm.s32 $0x2408;
	s30 =	sadd.s32 s5, s29  }
0x20: {  	s0 =	simm.s32 $0x18;
	s2 =	simm.s32 $0x2418;
	s16 =	sadd.s32 $0x0, s30  }
.LBB2_5:
0x21: {  	[tilespmem:s31], [sflag:$0x1] =	stream.linear.gather [hbm4b:s16+s4], $0x8, $0x38;
	[tilespmem:$0x1F800] =	vst v63  }
0x22: {  	s16 =	smov.u32 s0;
	s31 =	smov.u32 s2;
	p0 =	sne.s32 s0, $0x35E8  }
.Ltmp1:
0x23: {  	s0 =	sadd.s32 $0x18, s0;
	(pc) =	sbr.rel @p0 .LBB2_5-.Ltmp1, $2  }
0x24: {  	_ =	sdelay $0x2  }
0x25: {  	s2 =	sadd.s32 $0x10, s2;
	s16 =	sadd.s32 s16, s30  }
0x26: {  	[tilespmem:s31], [sflag:$0x1] =	stream.linear.gather [hbm4b:s16+s4], $0x8, $0x38;
	[tilespmem:$0x1F800] =	vst v63  }
0x27: {  	s28 =	sadd.s32 s1, s28;
	s30 =	simm.s32 $0x0  }
0x28: {  	s0 =	simm.s32 $0x18;
	s2 =	simm.s32 $0x10;
	s16 =	sadd.s32 $0x0, s28  }
.LBB2_7:
0x29: {  	[tilespmem:s30], [sflag:$0x1] =	stream.linear.gather [hbm4b:s16+s4], $0x8, $0x38;
	[tilespmem:$0x1F800] =	vst v63  }
0x2a: {  	s16 =	smov.u32 s0;
	s30 =	smov.u32 s2;
	p0 =	sne.s32 s0, $0x35E8  }
.Ltmp2:
0x2b: {  	s0 =	sadd.s32 $0x18, s0;
	(pc) =	sbr.rel @p0 .LBB2_7-.Ltmp2, $2  }
0x2c: {  	_ =	sdelay $0x2  }
0x2d: {  	s2 =	sadd.s32 $0x10, s2;
	s16 =	sadd.s32 s16, s28  }
0x2e: {  	[tilespmem:s30], [sflag:$0x1] =	stream.linear.gather [hbm4b:s16+s4], $0x8, $0x38;
	[tilespmem:$0x1F800] =	vst v63  }
0x2f: {  	s28 =	sadd.s32 s1, s29;
	s29 =	simm.s32 $0x8  }
0x30: {  	s0 =	simm.s32 $0x18;
	s2 =	simm.s32 $0x18;
	s16 =	sadd.s32 $0x0, s28  }
.LBB2_9:
0x31: {  	[tilespmem:s29], [sflag:$0x1] =	stream.linear.gather [hbm4b:s16+s4], $0x8, $0x38;
	[tilespmem:$0x1F800] =	vst v63  }
0x32: {  	s16 =	smov.u32 s0;
	s29 =	smov.u32 s2;
	p0 =	sne.s32 s0, $0x35E8  }
.Ltmp3:
0x33: {  	s0 =	sadd.s32 $0x18, s0;
	(pc) =	sbr.rel @p0 .LBB2_9-.Ltmp3, $2  }
0x34: {  	_ =	sdelay $0x2  }
0x35: {  	s2 =	sadd.s32 $0x10, s2;
	s16 =	sadd.s32 s16, s28  }
0x36: {  	[tilespmem:s29], [sflag:$0x1] =	stream.linear.gather [hbm4b:s16+s4], $0x8, $0x38;
	[tilespmem:$0x1F800] =	vst v63  }
0x37: {  	s0 =	sadd.s32 s25, s11  }
0x38: {  	s25 =	sshrl.u32 s0, $0x3  }
0x39: {  	s29 =	simm.s32 $0x6C00;
	s28 =	sadd.s32 s5, s25  }
0x3a: {  	s2 =	simm.s32 $0x6C10;
	s0 =	simm.s32 $0x18;
	s16 =	sadd.s32 $0x0, s28  }
.LBB2_11:
0x3b: {  	[tilespmem:s29], [sflag:$0x1] =	stream.linear.gather [hbm4b:s16+s4], $0x8, $0x38;
	[tilespmem:$0x1F800] =	vst v63  }
0x3c: {  	s16 =	smov.u32 s0;
	s29 =	smov.u32 s2;
	p0 =	sne.s32 s0, $0x35E8  }
.Ltmp4:
0x3d: {  	s0 =	sadd.s32 $0x18, s0;
	(pc) =	sbr.rel @p0 .LBB2_11-.Ltmp4, $2  }
0x3e: {  	_ =	sdelay $0x2  }
0x3f: {  	s2 =	sadd.s32 $0x10, s2;
	s16 =	sadd.s32 s16, s28  }
0x40: {  	[tilespmem:s29], [sflag:$0x1] =	stream.linear.gather [hbm4b:s16+s4], $0x8, $0x38;
	[tilespmem:$0x1F800] =	vst v63  }
0x41: {  	s28 =	sadd.s32 $0xC, s25  }
0x42: {  	s30 =	simm.s32 $0x6C08;
	s29 =	sadd.s32 s5, s28  }
0x43: {  	s0 =	simm.s32 $0x18;
	s2 =	simm.s32 $0x6C18;
	s16 =	sadd.s32 $0x0, s29  }
.LBB2_13:
0x44: {  	[tilespmem:s30], [sflag:$0x1] =	stream.linear.gather [hbm4b:s16+s4], $0x8, $0x38;
	[tilespmem:$0x1F800] =	vst v63  }
0x45: {  	s16 =	smov.u32 s0;
	s30 =	smov.u32 s2;
	p0 =	sne.s32 s0, $0x35E8  }
.Ltmp5:
0x46: {  	s0 =	sadd.s32 $0x18, s0;
	(pc) =	sbr.rel @p0 .LBB2_13-.Ltmp5, $2  }
0x47: {  	_ =	sdelay $0x2  }
0x48: {  	s2 =	sadd.s32 $0x10, s2;
	s16 =	sadd.s32 s16, s29  }
0x49: {  	[tilespmem:s30], [sflag:$0x1] =	stream.linear.gather [hbm4b:s16+s4], $0x8, $0x38;
	[tilespmem:$0x1F800] =	vst v63  }
0x4a: {  	s25 =	sadd.s32 s1, s25;
	s29 =	simm.s32 $0x4800  }
0x4b: {  	s0 =	simm.s32 $0x18;
	s2 =	simm.s32 $0x4810;
	s16 =	sadd.s32 $0x0, s25  }
.LBB2_15:
0x4c: {  	[tilespmem:s29], [sflag:$0x1] =	stream.linear.gather [hbm4b:s16+s4], $0x8, $0x38;
	[tilespmem:$0x1F800] =	vst v63  }
0x4d: {  	s16 =	smov.u32 s0;
	s29 =	smov.u32 s2;
	p0 =	sne.s32 s0, $0x35E8  }
.Ltmp6:
0x4e: {  	s0 =	sadd.s32 $0x18, s0;
	(pc) =	sbr.rel @p0 .LBB2_15-.Ltmp6, $2  }
0x4f: {  	_ =	sdelay $0x2  }
0x50: {  	s2 =	sadd.s32 $0x10, s2;
	s16 =	sadd.s32 s16, s25  }
0x51: {  	[tilespmem:s29], [sflag:$0x1] =	stream.linear.gather [hbm4b:s16+s4], $0x8, $0x38;
	[tilespmem:$0x1F800] =	vst v63  }
0x52: {  	s25 =	sadd.s32 s1, s28;
	s28 =	simm.s32 $0x4808  }
0x53: {  	s0 =	simm.s32 $0x18;
	s2 =	simm.s32 $0x4818;
	s16 =	sadd.s32 $0x0, s25  }
.LBB2_17:
0x54: {  	[tilespmem:s28], [sflag:$0x1] =	stream.linear.gather [hbm4b:s16+s4], $0x8, $0x38;
	[tilespmem:$0x1F800] =	vst v63  }
0x55: {  	s16 =	smov.u32 s0;
	s28 =	smov.u32 s2;
	p0 =	sne.s32 s0, $0x35E8  }
.Ltmp7:
0x56: {  	s0 =	sadd.s32 $0x18, s0;
	(pc) =	sbr.rel @p0 .LBB2_17-.Ltmp7, $2  }
0x57: {  	_ =	sdelay $0x2  }
0x58: {  	s2 =	sadd.s32 $0x10, s2;
	s16 =	sadd.s32 s16, s25  }
0x59: {  	[tilespmem:s28], [sflag:$0x1] =	stream.linear.gather [hbm4b:s16+s4], $0x8, $0x38;
	[tilespmem:$0x1F800] =	vst v63  }
0x5a: {  	_ =	swait.ge [sflag:s18], $0x1200  }
0x5b: {  	[sflag:s18] =	ssyncset.done $0x0  }
0x5c: {  	[sflag:s18] =	ssyncadd.s32 $0xFFFFEE00  }
0x5d: {  	_ =	swait.ge [sflag:s18], $0x1200  }
0x5e: {  	[sflag:s18] =	ssyncset.done $0x0  }
0x5f: {  	[sflag:s18] =	ssyncadd.s32 $0xFFFFEE00  }
0x60: {  	_ =	swait.ge [sflag:s18], $0x1200  }
0x61: {  	[sflag:s18] =	ssyncset.done $0x0  }
0x62: {  	[sflag:s18] =	ssyncadd.s32 $0xFFFFEE00  }
0x63: {  	_ =	swait.ge [sflag:s18], $0x1200  }
0x64: {  	[sflag:s18] =	ssyncset.done $0x0  }
0x65: {  	s28 =	simm.s32 $0x0;
	[sflag:s18] =	ssyncadd.s32 $0xFFFFEE00  }
0x66: {  	v1 =	vld [tilespmem:s28+$0x2400];
	_ =	sdelay $0x4  }
0x67: {  	s25 =	simm.s32 $0x10;
	v4 =	vld [tilespmem:s28+$0x0];
	v2 =	vshrl.u32 v1, $0xC  }
0x68: {  	v3 =	vmul.u32 $0x1C72, v2;
	v2 =	vld [tilespmem:s25+$0x2400];
	_ =	sdelay $0x1  }
0x69: {  	v3 =	vshrl.u32 v3, $0x10  }
0x6a: {  	v5 =	vmul.u32 $0xFFFF7000, v3  }
0x6b: {  	v6 =	vld [tilespmem:s25+$0x0]  }
0x6c: {  	s29 =	simm.s32 $0x20;
	[tilespmem:s28+$0x9000] =	vst v4;
	v1 =	vadd.s32 v1, v5;
	v5 =	vshrl.u32 v2, $0xC  }
0x6d: {  	v4 =	vld [tilespmem:s29+$0x2400];
	v1 =	vshrl.u32 v1, $0x5;
	v5 =	vmul.u32 $0x1C72, v5  }
0x6e: {  	v7 =	vmul.u32 $0x5556, v1  }
0x6f: {  	v8 =	vshll.u32 v3, $0x8;
	v9 =	vshll.u32 v3, $0x7;
	v1 =	vld [tilespmem:s29+$0x0];
	v3 =	vshrl.u32 v5, $0x10  }
0x70: {  	[tilespmem:s25+$0x9000] =	vst v6;
	v5 =	vshrl.u32 v7, $0x10;
	v7 =	vadd.s32 v9, v8;
	v6 =	vmul.u32 $0xFFFF7000, v3  }
0x71: {  	s30 =	simm.s32 $0xC0;
	v5 =	vadd.s32 v5, v7  }
.LBB2_19:
0x72: {  	s0 =	sshra.s32 s30, $0x2;
	p0 =	sne.s32 s30, $0x8FC0;
	s30 =	sadd.s32 $0x40, s30;
	v7 =	vshrl.u32 v4, $0xC;
	v6 =	vadd.s32 v2, v6;
	v5 =	vadd.s32 v0, v5;
	v2 =	vmovc v4  }
.Ltmp8:
0x73: {  	v4 =	vld [tilespmem:s0+$0x2400];
	v7 =	vmul.u32 $0x1C72, v7;
	v6 =	vshrl.u32 v6, $0x5;
	[tilespmem:s28+$0xB400] =	vst v5;
	s28 =	smov.u32 s25;
	s25 =	smov.u32 s29;
	(pc) =	sbr.rel @p0 .LBB2_19-.Ltmp8, $4  }
0x74: {  	s29 =	smov.u32 s0;
	[tilespmem:s25+$0x9000] =	vst v1;
	v1 =	vld [tilespmem:s0+$0x0];
	v5 =	vmul.u32 $0x5556, v6  }
0x75: {  	v8 =	vshll.u32 v3, $0x8;
	v9 =	vshll.u32 v3, $0x7;
	v3 =	vshrl.u32 v7, $0x10  }
0x76: {  	v7 =	vadd.s32 v9, v8;
	v6 =	vmul.u32 $0xFFFF7000, v3;
	v5 =	vshrl.u32 v5, $0x10  }
0x77: {  	v5 =	vadd.s32 v5, v7  }
0x78: {  	v7 =	vshrl.u32 v4, $0xC  }
0x79: {  	v7 =	vmul.u32 $0x1C72, v7;
	_ =	sdelay $0x1  }
0x7a: {  	v2 =	vadd.s32 v2, v6;
	v7 =	vshrl.u32 v7, $0x10  }
0x7b: {  	v2 =	vshrl.u32 v2, $0x5;
	v6 =	vmul.u32 $0xFFFF7000, v7  }
0x7c: {  	v2 =	vmul.u32 $0x5556, v2  }
0x7d: {  	v4 =	vadd.s32 v4, v6  }
0x7e: {  	v5 =	vadd.s32 v0, v5;
	v2 =	vshrl.u32 v2, $0x10;
	v4 =	vshrl.u32 v4, $0x5  }
0x7f: {  	v6 =	vshll.u32 v3, $0x8;
	v3 =	vshll.u32 v3, $0x7;
	v4 =	vmul.u32 $0x5556, v4  }
0x80: {  	v3 =	vadd.s32 v3, v6;
	v6 =	vshll.u32 v7, $0x8;
	v7 =	vshll.u32 v7, $0x7  }
0x81: {  	[tilespmem:s28+$0xB400] =	vst v5;
	v2 =	vadd.s32 v2, v3;
	v3 =	vshrl.u32 v4, $0x10;
	v4 =	vadd.s32 v7, v6  }
0x82: {  	[tilespmem:s29+$0x9000] =	vst v1;
	v1 =	vadd.s32 v0, v2;
	v2 =	vadd.s32 v3, v4  }
0x83: {  	[tilespmem:s25+$0xB400] =	vst v1;
	v1 =	vadd.s32 v0, v2  }
0x84: {  	[tilespmem:s29+$0xB400] =	vst v1  }
0x85: {  	_ =	swait.ge [sflag:s19], $0x2400  }
0x86: {  	[sflag:s19] =	ssyncset.done $0x0  }
0x87: {  	[sflag:s19] =	ssyncadd.s32 $0xFFFFDC00  }
0x88: {  	[bflag:$0x0] =	sbarrier.arrive $0xFFFF  }
0x89: {  	[spmem:s3] =	stream.indirect.scatter.add.f32 [tilespmem:s22], [sflag:$0x3], $0x1, s21, s20, $0xb8;
	[tilespmem:$0x1F800] =	vst v63  }
0x8a: {  	_ =	swait.ge [sflag:s23], $0x2400  }
0x8b: {  	[sflag:s23] =	ssyncset.done $0x0  }
0x8c: {  	[sflag:s23] =	ssyncadd.s32 $0xFFFFDC00  }
0x8d: {  	_ =	swait.ge [sflag:s18], $0x1200  }
0x8e: {  	[sflag:s18] =	ssyncset.done $0x0  }
0x8f: {  	[sflag:s18] =	ssyncadd.s32 $0xFFFFEE00  }
0x90: {  	_ =	swait.ge [sflag:s18], $0x1200  }
0x91: {  	[sflag:s18] =	ssyncset.done $0x0  }
0x92: {  	[sflag:s18] =	ssyncadd.s32 $0xFFFFEE00  }
0x93: {  	_ =	swait.ge [sflag:s18], $0x1200  }
0x94: {  	[sflag:s18] =	ssyncset.done $0x0  }
0x95: {  	[sflag:s18] =	ssyncadd.s32 $0xFFFFEE00  }
0x96: {  	_ =	swait.ge [sflag:s18], $0x1200  }
0x97: {  	[sflag:s18] =	ssyncset.done $0x0  }
0x98: {  	s28 =	simm.s32 $0x0;
	[sflag:s18] =	ssyncadd.s32 $0xFFFFEE00  }
0x99: {  	v1 =	vld [tilespmem:s28+$0x6C00];
	_ =	sdelay $0x4  }
0x9a: {  	s25 =	simm.s32 $0x10;
	v4 =	vld [tilespmem:s28+$0x4800];
	v2 =	vshrl.u32 v1, $0xC  }
0x9b: {  	v3 =	vmul.u32 $0x1C72, v2;
	v2 =	vld [tilespmem:s25+$0x6C00];
	_ =	sdelay $0x1  }
0x9c: {  	v3 =	vshrl.u32 v3, $0x10  }
0x9d: {  	v5 =	vmul.u32 $0xFFFF7000, v3  }
0x9e: {  	v6 =	vld [tilespmem:s25+$0x4800]  }
0x9f: {  	s29 =	simm.s32 $0x20;
	[tilespmem:s28+$0x9000] =	vst v4;
	v1 =	vadd.s32 v1, v5;
	v5 =	vshrl.u32 v2, $0xC  }
0xa0: {  	v4 =	vld [tilespmem:s29+$0x6C00];
	v1 =	vshrl.u32 v1, $0x5;
	v5 =	vmul.u32 $0x1C72, v5  }
0xa1: {  	v7 =	vmul.u32 $0x5556, v1  }
0xa2: {  	v8 =	vshll.u32 v3, $0x8;
	v9 =	vshll.u32 v3, $0x7;
	v1 =	vld [tilespmem:s29+$0x4800];
	v3 =	vshrl.u32 v5, $0x10  }
0xa3: {  	[tilespmem:s25+$0x9000] =	vst v6;
	v5 =	vshrl.u32 v7, $0x10;
	v7 =	vadd.s32 v9, v8;
	v6 =	vmul.u32 $0xFFFF7000, v3  }
0xa4: {  	s30 =	simm.s32 $0xC0;
	v5 =	vadd.s32 v5, v7  }
.LBB2_21:
0xa5: {  	s0 =	sshra.s32 s30, $0x2;
	p0 =	sne.s32 s30, $0x8FC0;
	s30 =	sadd.s32 $0x40, s30;
	v7 =	vshrl.u32 v4, $0xC;
	v6 =	vadd.s32 v2, v6;
	v5 =	vadd.s32 v0, v5;
	v2 =	vmovc v4  }
.Ltmp9:
0xa6: {  	v4 =	vld [tilespmem:s0+$0x6C00];
	v7 =	vmul.u32 $0x1C72, v7;
	v6 =	vshrl.u32 v6, $0x5;
	[tilespmem:s28+$0xB400] =	vst v5;
	s28 =	smov.u32 s25;
	s25 =	smov.u32 s29;
	(pc) =	sbr.rel @p0 .LBB2_21-.Ltmp9, $4  }
0xa7: {  	s29 =	smov.u32 s0;
	[tilespmem:s25+$0x9000] =	vst v1;
	v1 =	vld [tilespmem:s0+$0x4800];
	v5 =	vmul.u32 $0x5556, v6  }
0xa8: {  	v8 =	vshll.u32 v3, $0x8;
	v9 =	vshll.u32 v3, $0x7;
	v3 =	vshrl.u32 v7, $0x10  }
0xa9: {  	v7 =	vadd.s32 v9, v8;
	v6 =	vmul.u32 $0xFFFF7000, v3;
	v5 =	vshrl.u32 v5, $0x10  }
0xaa: {  	v5 =	vadd.s32 v5, v7  }
0xab: {  	v7 =	vshrl.u32 v4, $0xC  }
0xac: {  	v7 =	vmul.u32 $0x1C72, v7;
	_ =	sdelay $0x1  }
0xad: {  	v7 =	vshrl.u32 v7, $0x10  }
0xae: {  	v59 =	vmul.u32 $0xFFFF7000, v7  }
0xaf: {  	v2 =	vadd.s32 v2, v6  }
0xb0: {  	v61 =	vshll.u32 v3, $0x8;
	v2 =	vshrl.u32 v2, $0x5;
	v60 =	vadd.s32 v4, v59  }
0xb1: {  	v3 =	vshll.u32 v3, $0x7;
	v2 =	vmul.u32 $0x5556, v2;
	v4 =	vshrl.u32 v60, $0x5  }
0xb2: {  	v5 =	vadd.s32 v0, v5;
	v3 =	vadd.s32 v3, v61;
	v4 =	vmul.u32 $0x5556, v4  }
0xb3: {  	v2 =	vshrl.u32 v2, $0x10;
	v62 =	vshll.u32 v7, $0x8;
	v7 =	vshll.u32 v7, $0x7  }
0xb4: {  	[tilespmem:s28+$0xB400] =	vst v5;
	v2 =	vadd.s32 v2, v3;
	v63 =	vadd.s32 v7, v62;
	v3 =	vshrl.u32 v4, $0x10  }
0xb5: {  	[tilespmem:s29+$0x9000] =	vst v1;
	v1 =	vadd.s32 v0, v2;
	v2 =	vadd.s32 v3, v63  }
0xb6: {  	[tilespmem:s25+$0xB400] =	vst v1;
	v1 =	vadd.s32 v0, v2  }
0xb7: {  	s0 =	smul.u32 $0x120000, s26;
	[tilespmem:s29+$0xB400] =	vst v1  }
0xb8: {  	[spmem:s3] =	stream.indirect.scatter.add.f32 [tilespmem:s22], [sflag:$0x3], $0x1, s21, s20, $0xb8;
	[tilespmem:$0x1F800] =	vst v63  }
0xb9: {  	_ =	swait.ge [sflag:s23], $0x2400  }
0xba: {  	s0 =	sadd.s32 s13, s0;
	[sflag:s23] =	ssyncset.done $0x0  }
0xbb: {  	s26 =	sadd.s32 $0x1, s26;
	s0 =	sshrl.u32 s0, $0x3;
	[sflag:s23] =	ssyncadd.s32 $0xFFFFDC00  }
0xbc: {  	p0 =	sne.s32 s26, $0xC;
	s0 =	sadd.s32 s6, s0;
	[bflag:$0x0] =	sbarrier.arrive $0xFFFF  }
.Ltmp10:
0xbd: {  	s25 =	sor.u32 $0x1C03, s8;
	[bflag:$0x0] =	sbarrier.arrive $0xFFFF;
	(pc) =	sbr.rel @p0 .LBB2_2-.Ltmp10, $4  }
0xbe: {  	[hbm:s0], [sflag:s25] =	dma.local [spmem:s17], $0x2400  }
0xbf: {  	_ =	swait.ge [sflag:s23], $0x2400  }
0xc0: {  	[sflag:s23] =	ssyncset.done $0x0  }
0xc1: {  	s28 =	simm.s32 $0x0;
	[sflag:s23] =	ssyncadd.s32 $0xFFFFDC00  }
.LBB2_23:
0xc2: {  	[spmem:s17], [sflag:s10] =	dma.local [hbm:s7], $0x2400  }
0xc3: {  	s26 =	sshll.u32 s28, $0x3  }
0xc4: {  	s0 =	sadd.s32 s12, s26  }
0xc5: {  	s29 =	sshrl.u32 s0, $0x3  }
0xc6: {  	s31 =	simm.s32 $0x2400;
	s30 =	sadd.s32 s5, s29  }
0xc7: {  	s2 =	simm.s32 $0x2410;
	s0 =	simm.s32 $0x18;
	s16 =	sadd.s32 $0x0, s30  }
.LBB2_24:
0xc8: {  	[tilespmem:s31], [sflag:$0x1] =	stream.linear.gather [hbm4b:s16+s4], $0x8, $0x38;
	[tilespmem:$0x1F800] =	vst v63  }
0xc9: {  	s16 =	smov.u32 s0;
	s31 =	smov.u32 s2;
	p0 =	sne.s32 s0, $0x35E8  }
.Ltmp11:
0xca: {  	s0 =	sadd.s32 $0x18, s0;
	(pc) =	sbr.rel @p0 .LBB2_24-.Ltmp11, $2  }
0xcb: {  	_ =	sdelay $0x2  }
0xcc: {  	s2 =	sadd.s32 $0x10, s2;
	s16 =	sadd.s32 s16, s30  }
0xcd: {  	[tilespmem:s31], [sflag:$0x1] =	stream.linear.gather [hbm4b:s16+s4], $0x8, $0x38;
	[tilespmem:$0x1F800] =	vst v63  }
0xce: {  	s30 =	sadd.s32 $0xC, s29  }
0xcf: {  	s0 =	simm.s32 $0x2408;
	s31 =	sadd.s32 s5, s30  }
0xd0: {  	s2 =	simm.s32 $0x18;
	s16 =	simm.s32 $0x2418;
	s24 =	sadd.s32 $0x0, s31  }
.LBB2_26:
0xd1: {  	[tilespmem:s0], [sflag:$0x1] =	stream.linear.gather [hbm4b:s24+s4], $0x8, $0x38;
	[tilespmem:$0x1F800] =	vst v63  }
0xd2: {  	s24 =	smov.u32 s2;
	s0 =	smov.u32 s16;
	p0 =	sne.s32 s2, $0x35E8  }
.Ltmp12:
0xd3: {  	s2 =	sadd.s32 $0x18, s2;
	(pc) =	sbr.rel @p0 .LBB2_26-.Ltmp12, $2  }
0xd4: {  	_ =	sdelay $0x2  }
0xd5: {  	s16 =	sadd.s32 $0x10, s16;
	s24 =	sadd.s32 s24, s31  }
0xd6: {  	[tilespmem:s0], [sflag:$0x1] =	stream.linear.gather [hbm4b:s24+s4], $0x8, $0x38;
	[tilespmem:$0x1F800] =	vst v63  }
0xd7: {  	s29 =	sadd.s32 s1, s29;
	s0 =	simm.s32 $0x0  }
0xd8: {  	s2 =	simm.s32 $0x18;
	s16 =	simm.s32 $0x10;
	s24 =	sadd.s32 $0x0, s29  }
.LBB2_28:
0xd9: {  	[tilespmem:s0], [sflag:$0x1] =	stream.linear.gather [hbm4b:s24+s4], $0x8, $0x38;
	[tilespmem:$0x1F800] =	vst v63  }
0xda: {  	s24 =	smov.u32 s2;
	s0 =	smov.u32 s16;
	p0 =	sne.s32 s2, $0x35E8  }
.Ltmp13:
0xdb: {  	s2 =	sadd.s32 $0x18, s2;
	(pc) =	sbr.rel @p0 .LBB2_28-.Ltmp13, $2  }
0xdc: {  	_ =	sdelay $0x2  }
0xdd: {  	s16 =	sadd.s32 $0x10, s16;
	s24 =	sadd.s32 s24, s29  }
0xde: {  	[tilespmem:s0], [sflag:$0x1] =	stream.linear.gather [hbm4b:s24+s4], $0x8, $0x38;
	[tilespmem:$0x1F800] =	vst v63  }
0xdf: {  	s29 =	sadd.s32 s1, s30;
	s0 =	simm.s32 $0x8  }
0xe0: {  	s2 =	simm.s32 $0x18;
	s16 =	simm.s32 $0x18;
	s24 =	sadd.s32 $0x0, s29  }
.LBB2_30:
0xe1: {  	[tilespmem:s0], [sflag:$0x1] =	stream.linear.gather [hbm4b:s24+s4], $0x8, $0x38;
	[tilespmem:$0x1F800] =	vst v63  }
0xe2: {  	s24 =	smov.u32 s2;
	s0 =	smov.u32 s16;
	p0 =	sne.s32 s2, $0x35E8  }
.Ltmp14:
0xe3: {  	s2 =	sadd.s32 $0x18, s2;
	(pc) =	sbr.rel @p0 .LBB2_30-.Ltmp14, $2  }
0xe4: {  	_ =	sdelay $0x2  }
0xe5: {  	s16 =	sadd.s32 $0x10, s16;
	s24 =	sadd.s32 s24, s29  }
0xe6: {  	[tilespmem:s0], [sflag:$0x1] =	stream.linear.gather [hbm4b:s24+s4], $0x8, $0x38;
	[tilespmem:$0x1F800] =	vst v63  }
0xe7: {  	s31 =	sadd.s32 s26, s14  }
0xe8: {  	s26 =	sshrl.u32 s31, $0x3  }
0xe9: {  	s0 =	simm.s32 $0x6C00;
	s29 =	sadd.s32 s5, s26  }
0xea: {  	s2 =	simm.s32 $0x18;
	s16 =	simm.s32 $0x6C10;
	s24 =	sadd.s32 $0x0, s29  }
.LBB2_32:
0xeb: {  	[tilespmem:s0], [sflag:$0x1] =	stream.linear.gather [hbm4b:s24+s4], $0x8, $0x38;
	[tilespmem:$0x1F800] =	vst v63  }
0xec: {  	s24 =	smov.u32 s2;
	s0 =	smov.u32 s16;
	p0 =	sne.s32 s2, $0x35E8  }
.Ltmp15:
0xed: {  	s2 =	sadd.s32 $0x18, s2;
	(pc) =	sbr.rel @p0 .LBB2_32-.Ltmp15, $2  }
0xee: {  	_ =	sdelay $0x2  }
0xef: {  	s16 =	sadd.s32 $0x10, s16;
	s24 =	sadd.s32 s24, s29  }
0xf0: {  	[tilespmem:s0], [sflag:$0x1] =	stream.linear.gather [hbm4b:s24+s4], $0x8, $0x38;
	[tilespmem:$0x1F800] =	vst v63  }
0xf1: {  	s29 =	sadd.s32 $0xC, s26  }
0xf2: {  	s0 =	simm.s32 $0x6C08;
	s30 =	sadd.s32 s5, s29  }
0xf3: {  	s2 =	simm.s32 $0x18;
	s16 =	simm.s32 $0x6C18;
	s24 =	sadd.s32 $0x0, s30  }
.LBB2_34:
0xf4: {  	[tilespmem:s0], [sflag:$0x1] =	stream.linear.gather [hbm4b:s24+s4], $0x8, $0x38;
	[tilespmem:$0x1F800] =	vst v63  }
0xf5: {  	s24 =	smov.u32 s2;
	s0 =	smov.u32 s16;
	p0 =	sne.s32 s2, $0x35E8  }
.Ltmp16:
0xf6: {  	s2 =	sadd.s32 $0x18, s2;
	(pc) =	sbr.rel @p0 .LBB2_34-.Ltmp16, $2  }
0xf7: {  	_ =	sdelay $0x2  }
0xf8: {  	s16 =	sadd.s32 $0x10, s16;
	s24 =	sadd.s32 s24, s30  }
0xf9: {  	[tilespmem:s0], [sflag:$0x1] =	stream.linear.gather [hbm4b:s24+s4], $0x8, $0x38;
	[tilespmem:$0x1F800] =	vst v63  }
0xfa: {  	s26 =	sadd.s32 s1, s26;
	s0 =	simm.s32 $0x4800  }
0xfb: {  	s2 =	simm.s32 $0x18;
	s16 =	simm.s32 $0x4810;
	s24 =	sadd.s32 $0x0, s26  }
.LBB2_36:
0xfc: {  	[tilespmem:s0], [sflag:$0x1] =	stream.linear.gather [hbm4b:s24+s4], $0x8, $0x38;
	[tilespmem:$0x1F800] =	vst v63  }
0xfd: {  	s24 =	smov.u32 s2;
	s0 =	smov.u32 s16;
	p0 =	sne.s32 s2, $0x35E8  }
.Ltmp17:
0xfe: {  	s2 =	sadd.s32 $0x18, s2;
	(pc) =	sbr.rel @p0 .LBB2_36-.Ltmp17, $2  }
0xff: {  	_ =	sdelay $0x2  }
0x100: {  	s16 =	sadd.s32 $0x10, s16;
	s24 =	sadd.s32 s24, s26  }
0x101: {  	[tilespmem:s0], [sflag:$0x1] =	stream.linear.gather [hbm4b:s24+s4], $0x8, $0x38;
	[tilespmem:$0x1F800] =	vst v63  }
0x102: {  	s26 =	sadd.s32 s1, s29;
	s0 =	simm.s32 $0x4808  }
0x103: {  	s2 =	simm.s32 $0x18;
	s16 =	simm.s32 $0x4818;
	s24 =	sadd.s32 $0x0, s26  }
.LBB2_38:
0x104: {  	[tilespmem:s0], [sflag:$0x1] =	stream.linear.gather [hbm4b:s24+s4], $0x8, $0x38;
	[tilespmem:$0x1F800] =	vst v63  }
0x105: {  	s24 =	smov.u32 s2;
	s0 =	smov.u32 s16;
	p0 =	sne.s32 s2, $0x35E8  }
.Ltmp18:
0x106: {  	s2 =	sadd.s32 $0x18, s2;
	(pc) =	sbr.rel @p0 .LBB2_38-.Ltmp18, $2  }
0x107: {  	_ =	sdelay $0x2  }
0x108: {  	s16 =	sadd.s32 $0x10, s16;
	s24 =	sadd.s32 s24, s26  }
0x109: {  	[tilespmem:s0], [sflag:$0x1] =	stream.linear.gather [hbm4b:s24+s4], $0x8, $0x38;
	[tilespmem:$0x1F800] =	vst v63  }
0x10a: {  	_ =	swait.ge [sflag:s18], $0x1200  }
0x10b: {  	[sflag:s18] =	ssyncset.done $0x0  }
0x10c: {  	[sflag:s18] =	ssyncadd.s32 $0xFFFFEE00  }
0x10d: {  	_ =	swait.ge [sflag:s18], $0x1200  }
0x10e: {  	[sflag:s18] =	ssyncset.done $0x0  }
0x10f: {  	[sflag:s18] =	ssyncadd.s32 $0xFFFFEE00  }
0x110: {  	_ =	swait.ge [sflag:s18], $0x1200  }
0x111: {  	[sflag:s18] =	ssyncset.done $0x0  }
0x112: {  	[sflag:s18] =	ssyncadd.s32 $0xFFFFEE00  }
0x113: {  	_ =	swait.ge [sflag:s18], $0x1200  }
0x114: {  	[sflag:s18] =	ssyncset.done $0x0  }
0x115: {  	s29 =	simm.s32 $0x0;
	[sflag:s18] =	ssyncadd.s32 $0xFFFFEE00  }
0x116: {  	v1 =	vld [tilespmem:s29+$0x2400];
	_ =	sdelay $0x4  }
0x117: {  	s26 =	simm.s32 $0x10;
	v4 =	vld [tilespmem:s29+$0x0];
	v2 =	vshrl.u32 v1, $0xC  }
0x118: {  	v3 =	vmul.u32 $0x1C72, v2;
	v2 =	vld [tilespmem:s26+$0x2400];
	_ =	sdelay $0x1  }
0x119: {  	v3 =	vshrl.u32 v3, $0x10  }
0x11a: {  	v5 =	vmul.u32 $0xFFFF7000, v3  }
0x11b: {  	v6 =	vld [tilespmem:s26+$0x0]  }
0x11c: {  	s30 =	simm.s32 $0x20;
	[tilespmem:s29+$0x9000] =	vst v4;
	v1 =	vadd.s32 v1, v5;
	v5 =	vshrl.u32 v2, $0xC  }
0x11d: {  	v4 =	vld [tilespmem:s30+$0x2400];
	v1 =	vshrl.u32 v1, $0x5;
	v5 =	vmul.u32 $0x1C72, v5  }
0x11e: {  	v7 =	vmul.u32 $0x5556, v1  }
0x11f: {  	v8 =	vshll.u32 v3, $0x8;
	v9 =	vshll.u32 v3, $0x7;
	v1 =	vld [tilespmem:s30+$0x0];
	v3 =	vshrl.u32 v5, $0x10  }
0x120: {  	[tilespmem:s26+$0x9000] =	vst v6;
	v5 =	vshrl.u32 v7, $0x10;
	v7 =	vadd.s32 v9, v8;
	v6 =	vmul.u32 $0xFFFF7000, v3  }
0x121: {  	s31 =	simm.s32 $0xC0;
	v5 =	vadd.s32 v5, v7  }
.LBB2_40:
0x122: {  	s0 =	sshra.s32 s31, $0x2;
	p0 =	sne.s32 s31, $0x8FC0;
	s31 =	sadd.s32 $0x40, s31;
	v7 =	vshrl.u32 v4, $0xC;
	v6 =	vadd.s32 v2, v6;
	v5 =	vadd.s32 v0, v5;
	v2 =	vmovc v4  }
.Ltmp19:
0x123: {  	v4 =	vld [tilespmem:s0+$0x2400];
	v7 =	vmul.u32 $0x1C72, v7;
	v6 =	vshrl.u32 v6, $0x5;
	[tilespmem:s29+$0xB400] =	vst v5;
	s29 =	smov.u32 s26;
	s26 =	smov.u32 s30;
	(pc) =	sbr.rel @p0 .LBB2_40-.Ltmp19, $4  }
0x124: {  	s30 =	smov.u32 s0;
	[tilespmem:s26+$0x9000] =	vst v1;
	v1 =	vld [tilespmem:s0+$0x0];
	v5 =	vmul.u32 $0x5556, v6  }
0x125: {  	v8 =	vshll.u32 v3, $0x8;
	v9 =	vshll.u32 v3, $0x7;
	v3 =	vshrl.u32 v7, $0x10  }
0x126: {  	v7 =	vadd.s32 v9, v8;
	v6 =	vmul.u32 $0xFFFF7000, v3;
	v5 =	vshrl.u32 v5, $0x10  }
0x127: {  	v5 =	vadd.s32 v5, v7  }
0x128: {  	v7 =	vshrl.u32 v4, $0xC  }
0x129: {  	v7 =	vmul.u32 $0x1C72, v7;
	_ =	sdelay $0x1  }
0x12a: {  	v2 =	vadd.s32 v2, v6;
	v7 =	vshrl.u32 v7, $0x10  }
0x12b: {  	v2 =	vshrl.u32 v2, $0x5;
	v6 =	vmul.u32 $0xFFFF7000, v7  }
0x12c: {  	v2 =	vmul.u32 $0x5556, v2  }
0x12d: {  	v4 =	vadd.s32 v4, v6  }
0x12e: {  	v5 =	vadd.s32 v0, v5;
	v2 =	vshrl.u32 v2, $0x10;
	v4 =	vshrl.u32 v4, $0x5  }
0x12f: {  	v6 =	vshll.u32 v3, $0x8;
	v3 =	vshll.u32 v3, $0x7;
	v4 =	vmul.u32 $0x5556, v4  }
0x130: {  	v3 =	vadd.s32 v3, v6;
	v6 =	vshll.u32 v7, $0x8;
	v7 =	vshll.u32 v7, $0x7  }
0x131: {  	[tilespmem:s29+$0xB400] =	vst v5;
	v2 =	vadd.s32 v2, v3;
	v3 =	vshrl.u32 v4, $0x10;
	v4 =	vadd.s32 v7, v6  }
0x132: {  	[tilespmem:s30+$0x9000] =	vst v1;
	v1 =	vadd.s32 v0, v2;
	v2 =	vadd.s32 v3, v4  }
0x133: {  	[tilespmem:s26+$0xB400] =	vst v1;
	v1 =	vadd.s32 v0, v2  }
0x134: {  	[tilespmem:s30+$0xB400] =	vst v1  }
0x135: {  	_ =	swait.ge [sflag:s19], $0x2400  }
0x136: {  	[sflag:s19] =	ssyncset.done $0x0  }
0x137: {  	[sflag:s19] =	ssyncadd.s32 $0xFFFFDC00  }
0x138: {  	[bflag:$0x0] =	sbarrier.arrive $0xFFFF  }
0x139: {  	[spmem:s3] =	stream.indirect.scatter.add.f32 [tilespmem:s22], [sflag:$0x3], $0x1, s21, s20, $0xb8;
	[tilespmem:$0x1F800] =	vst v63  }
0x13a: {  	_ =	swait.ge [sflag:s23], $0x2400  }
0x13b: {  	[sflag:s23] =	ssyncset.done $0x0  }
0x13c: {  	[sflag:s23] =	ssyncadd.s32 $0xFFFFDC00  }
0x13d: {  	_ =	swait.ge [sflag:s18], $0x1200  }
0x13e: {  	[sflag:s18] =	ssyncset.done $0x0  }
0x13f: {  	[sflag:s18] =	ssyncadd.s32 $0xFFFFEE00  }
0x140: {  	_ =	swait.ge [sflag:s18], $0x1200  }
0x141: {  	[sflag:s18] =	ssyncset.done $0x0  }
0x142: {  	[sflag:s18] =	ssyncadd.s32 $0xFFFFEE00  }
0x143: {  	_ =	swait.ge [sflag:s18], $0x1200  }
0x144: {  	[sflag:s18] =	ssyncset.done $0x0  }
0x145: {  	[sflag:s18] =	ssyncadd.s32 $0xFFFFEE00  }
0x146: {  	_ =	swait.ge [sflag:s18], $0x1200  }
0x147: {  	[sflag:s18] =	ssyncset.done $0x0  }
0x148: {  	s29 =	simm.s32 $0x0;
	[sflag:s18] =	ssyncadd.s32 $0xFFFFEE00  }
0x149: {  	v1 =	vld [tilespmem:s29+$0x6C00];
	_ =	sdelay $0x4  }
0x14a: {  	s26 =	simm.s32 $0x10;
	v4 =	vld [tilespmem:s29+$0x4800];
	v2 =	vshrl.u32 v1, $0xC  }
0x14b: {  	v3 =	vmul.u32 $0x1C72, v2;
	v2 =	vld [tilespmem:s26+$0x6C00];
	_ =	sdelay $0x1  }
0x14c: {  	v3 =	vshrl.u32 v3, $0x10  }
0x14d: {  	v5 =	vmul.u32 $0xFFFF7000, v3  }
0x14e: {  	v6 =	vld [tilespmem:s26+$0x4800]  }
0x14f: {  	s30 =	simm.s32 $0x20;
	[tilespmem:s29+$0x9000] =	vst v4;
	v1 =	vadd.s32 v1, v5;
	v5 =	vshrl.u32 v2, $0xC  }
0x150: {  	v4 =	vld [tilespmem:s30+$0x6C00];
	v1 =	vshrl.u32 v1, $0x5;
	v5 =	vmul.u32 $0x1C72, v5  }
0x151: {  	v7 =	vmul.u32 $0x5556, v1  }
0x152: {  	v8 =	vshll.u32 v3, $0x8;
	v9 =	vshll.u32 v3, $0x7;
	v1 =	vld [tilespmem:s30+$0x4800];
	v3 =	vshrl.u32 v5, $0x10  }
0x153: {  	[tilespmem:s26+$0x9000] =	vst v6;
	v5 =	vshrl.u32 v7, $0x10;
	v7 =	vadd.s32 v9, v8;
	v6 =	vmul.u32 $0xFFFF7000, v3  }
0x154: {  	s31 =	simm.s32 $0xC0;
	v5 =	vadd.s32 v5, v7  }
.LBB2_42:
0x155: {  	s0 =	sshra.s32 s31, $0x2;
	p0 =	sne.s32 s31, $0x8FC0;
	s31 =	sadd.s32 $0x40, s31;
	v7 =	vshrl.u32 v4, $0xC;
	v6 =	vadd.s32 v2, v6;
	v5 =	vadd.s32 v0, v5;
	v2 =	vmovc v4  }
.Ltmp20:
0x156: {  	v4 =	vld [tilespmem:s0+$0x6C00];
	v7 =	vmul.u32 $0x1C72, v7;
	v6 =	vshrl.u32 v6, $0x5;
	[tilespmem:s29+$0xB400] =	vst v5;
	s29 =	smov.u32 s26;
	s26 =	smov.u32 s30;
	(pc) =	sbr.rel @p0 .LBB2_42-.Ltmp20, $4  }
0x157: {  	s30 =	smov.u32 s0;
	[tilespmem:s26+$0x9000] =	vst v1;
	v1 =	vld [tilespmem:s0+$0x4800];
	v5 =	vmul.u32 $0x5556, v6  }
0x158: {  	v8 =	vshll.u32 v3, $0x8;
	v9 =	vshll.u32 v3, $0x7;
	v3 =	vshrl.u32 v7, $0x10  }
0x159: {  	v7 =	vadd.s32 v9, v8;
	v6 =	vmul.u32 $0xFFFF7000, v3;
	v5 =	vshrl.u32 v5, $0x10  }
0x15a: {  	v5 =	vadd.s32 v5, v7  }
0x15b: {  	v7 =	vshrl.u32 v4, $0xC  }
0x15c: {  	v7 =	vmul.u32 $0x1C72, v7;
	_ =	sdelay $0x1  }
0x15d: {  	v7 =	vshrl.u32 v7, $0x10  }
0x15e: {  	v59 =	vmul.u32 $0xFFFF7000, v7  }
0x15f: {  	v2 =	vadd.s32 v2, v6  }
0x160: {  	v61 =	vshll.u32 v3, $0x8;
	v2 =	vshrl.u32 v2, $0x5;
	v60 =	vadd.s32 v4, v59  }
0x161: {  	v3 =	vshll.u32 v3, $0x7;
	v2 =	vmul.u32 $0x5556, v2;
	v4 =	vshrl.u32 v60, $0x5  }
0x162: {  	v5 =	vadd.s32 v0, v5;
	v3 =	vadd.s32 v3, v61;
	v4 =	vmul.u32 $0x5556, v4  }
0x163: {  	v2 =	vshrl.u32 v2, $0x10;
	v62 =	vshll.u32 v7, $0x8;
	v7 =	vshll.u32 v7, $0x7  }
0x164: {  	[tilespmem:s29+$0xB400] =	vst v5;
	v2 =	vadd.s32 v2, v3;
	v63 =	vadd.s32 v7, v62;
	v3 =	vshrl.u32 v4, $0x10  }
0x165: {  	[tilespmem:s30+$0x9000] =	vst v1;
	v1 =	vadd.s32 v0, v2;
	v2 =	vadd.s32 v3, v63  }
0x166: {  	[tilespmem:s26+$0xB400] =	vst v1;
	v1 =	vadd.s32 v0, v2  }
0x167: {  	[tilespmem:s30+$0xB400] =	vst v1  }
0x168: {  	[spmem:s3] =	stream.indirect.scatter.add.f32 [tilespmem:s22], [sflag:$0x3], $0x1, s21, s20, $0xb8;
	[tilespmem:$0x1F800] =	vst v63  }
0x169: {  	s0 =	smul.u32 $0x120000, s28;
	_ =	swait.ge [sflag:s23], $0x2400  }
0x16a: {  	[sflag:s23] =	ssyncset.done $0x0  }
0x16b: {  	s28 =	sadd.s32 $0x1, s28;
	s0 =	sadd.s32 s15, s0;
	[sflag:s23] =	ssyncadd.s32 $0xFFFFDC00  }
0x16c: {  	p0 =	sne.s32 s28, $0xC;
	s0 =	sshrl.u32 s0, $0x3;
	[bflag:$0x0] =	sbarrier.arrive $0xFFFF  }
.Ltmp21:
0x16d: {  	s0 =	sadd.s32 s6, s0;
	[bflag:$0x0] =	sbarrier.arrive $0xFFFF;
	(pc) =	sbr.rel @p0 .LBB2_23-.Ltmp21, $4  }
0x16e: {  	[hbm:s0], [sflag:s25] =	dma.local [spmem:s17], $0x2400  }
0x16f: {  	_ =	swait.ge [sflag:s23], $0x2400  }
0x170: {  	[sflag:s23] =	ssyncset.done $0x0  }
0x171: {  	[sflag:s23] =	ssyncadd.s32 $0xFFFFDC00  }
0x172: {  	s2 =	rddreg [dreg:$0x5]  }
0x173: {  	s0 =	rddreg [dreg:$0x4];
	s2 =	sadd.s32 $0x1, s2  }
0x174: {  	p0 =	sne.s32 s2, s0  }
.Ltmp22:
0x175: {  	_ = 	snop;
	(pc) =	sbr.rel @p0 .LBB2_1-.Ltmp22, $1  }
0x176: {  	_ =	sdelay $0x3  }
0x177: {  	_ =	sfence.sel $0x180000  }
0x178: {  	[bflag:$0x0] =	sbarrier.arrive $0xFFFF  }
0x179: {  	_ =	strace $0x90000047  }
0x17a: {  	s0 =	stileid.u32;
	[bflag:$0x2] =	sbarrier.arrive $0xFFFF  }
0x17b: {  	p0 =	sne.s32 s0, $0x0;
	s0 =	rddreg [dreg:$0x3]  }
0x17c: {  	s0 =	sadd.s32 @!p0 $0x100000, s0  }
0x17d: {  	[sflag:s0] =	ssyncadd.tile.s32 @!p0 $0x1;
	_ =	shalt  }
.Lfunc_end2:
_tile_overlayer_lowered:
.L_overlay_start_2:
0x17e: {  	(tag) =	ssettag $0x2  }
0x17f: {  	s0 =	rddreg [dreg:$0x0];
	s2 =	stileid.u32  }
0x180: {  	s1 =	rddreg [dreg:$0x1];
	p0 =	sne.s32 s2, $0x0  }
0x181: {  	s3 =	rddreg [dreg:$0x2];
	[bflag:$0x3] =	sbarrier.arrive $0xFFFF;
	s2 =	simm.s32 @!p0 $0x1C03  }
0x182: {  	[timem:s3], [sflag:s2] =	dma.local @!p0 [hbm:s0], s1  }
0x183: {  	s0 =	simm.s32 @!p0 $0x3  }
0x184: {  	_ =	swait.ge @!p0 [sflag:s0], s1  }
0x185: {  	s1 =	ssub.s32 @!p0 $0x0, s1;
	[sflag:s0] =	ssyncset.done @!p0 $0x0  }
0x186: {  	[sflag:s0] =	ssyncadd.s32 @!p0 s1  }
0x187: {  	[bflag:$0x3] =	sbarrier.arrive $0xFFFF  }
0x188: {  	_ =	shalt  }

// kernel: sparse-core-data-format-call.cloned.1.call-start
scs
called_computation_lowered:
.L_overlay_start_0:
0x0: {  	s2 =	sld [smem:$0x3FD9]  }
0x1: {  	s3 =	sld [smem:$0x3FFE];
	_ =	sdelay $0x1  }
0x2: {  	s1 =	srdreg.scid  }
0x3: {  	s0 =	sand.u32 $0x1, s1  }
0x4: {  	s18 =	sshll.u32 s0, $0xA;
	s2 =	sadd.s32 s3, s2  }
0x5: {  	s2 =	sadd.s32 s2, s18  }
0x6: {  	[smem:$0x3FC6] =	sst s2  }
0x7: {  	_ = 	snop  }
0x8: {  	s2 =	sld [smem:$0x3FD0];
	(tm) =	ssettm $0x1  }
0x9: {  	s19 =	sld [smem:$0x3FFB];
	_ =	sdelay $0x3  }
0xa: {  	_ =	strace s19  }
0xb: {  	s3 =	sld [smem:$0x3FFC];
	_ =	sdelay $0x3  }
0xc: {  	_ =	strace s3  }
0xd: {  	s3 =	sld [smem:$0x3FFD];
	_ =	sdelay $0x3  }
0xe: {  	_ =	strace s3  }
0xf: {  	_ =	strace $0x8FFFFFFF  }
0x10: {  	s20 =	sld [smem:$0x3FDB];
	_ =	sdelay $0x1  }
0x11: {  	s4 =	simm.s32 $_scs_section_size  }
0x12: {  	s5 =	simm.s32 $_size__tile_overlayer_lowered;
	s6 =	simm.s32 $_tile_overlayer_lowered  }
0x13: {  	s23 =	simm.s32 $0x1BFF;
	s22 =	sshll.u32 s6, $0x1;
	s3 =	sadd.s32 s4, s20  }
0x14: {  	s7 =	simm.s32 $0x0;
	s21 =	sshll.u32 s5, $0x1;
	s5 =	sadd.s32 s22, s3  }
0x15: {  	[timem:s7], [sflag:s23] =	dma.local [hbm:s5], s21  }
0x16: {  	_ =	swait.ge [sflag:s23], s21  }
0x17: {  	s4 =	ssub.s32 $0x0, s21;
	[sflag:s23] =	ssyncset.done $0x0  }
0x18: {  	[sflag:s23] =	ssyncadd.s32 s4;
	_ =	sdelay $0x1  }
0x19: {  	s24 =	simm.s32 $0x1B8B  }
0x1a: {  	_ =	swait.ge [sflag:s24], $0x1  }
0x1b: {  	[sflag:s24] =	ssyncset.done $0x0  }
0x1c: {  	s26 =	simm.s32 $0x1B8E;
	s25 =	sld [smem:$0x3FFE];
	[sflag:s24] =	ssyncadd.s32 $0xFFFFFFFF  }
0x1d: {  	s27 =	simm.s32 $execute0_lowered;
	[smem:$0x3FD2] =	sst s26  }
0x1e: {  	s5 =	sshll.u32 s27, $0x1;
	_ =	strace $0x80000049;
	[dreg:$0x1] =	wrdreg $0xFFFFFFFF  }
0x1f: {  	s28 =	simm.s32 $_size_execute0_lowered;
	s3 =	sadd.s32 s3, s5;
	[dreg:$0x0] =	wrdreg $0x0  }
0x20: {  	s5 =	sshll.u32 s28, $0x1;
	[dreg:$0x2] =	wrdreg s3  }
0x21: {  	[dreg:$0x3] =	wrdreg s5  }
0x22: {  	[dreg:$0x4] =	wrdreg $0xC0  }
0x23: {  	_ =	task [dreg:s7], $0x5FFFF  }
0x24: {  	[dreg:$0x1] =	wrdreg $0xFFFFFFFF  }
0x25: {  	[dreg:$0x0] =	wrdreg $0x60  }
0x26: {  	[dreg:$0x2] =	wrdreg s25  }
0x27: {  	[dreg:$0x3] =	wrdreg s2  }
0x28: {  	[dreg:$0x4] =	wrdreg $0x9  }
0x29: {  	_ =	task.clear_ibuf [dreg:s7], $0x5FFFF;
	_ =	strace $0x90000049  }
0x2a: {  	s29 =	simm.s32 $0x9;
	_ =	strace $0x8000004B  }
0x2b: {  	_ =	swait.ge [sflag:s29], $0x1  }
0x2c: {  	[sflag:s29] =	ssyncadd.s32 $0xFFFFFFFF  }
0x2d: {  	_ =	strace $0x9000004B  }
0x2e: {  	_ =	sfence  }
0x2f: {  	s30 =	sld [smem:$0x0];
	_ =	sdelay $0x2  }
0x30: {  	s31 =	sshll.u32 s1, $0xD;
	s1 =	sshrl.u32 s1, $0x2  }
0x31: {  	s3 =	sand.u32 $0x4000, s31;
	s1 =	sadd.s32 s1, s30  }
0x32: {  	s0 =	sor.u32 s3, s0;
	s1 =	sshll.u32 s1, $0x11  }
0x33: {  	s0 =	sor.u32 s1, s0  }
0x34: {  	s0 =	sadd.s32 $0x8F2B, s0  }
0x35: {  	[sflag:s0] =	ssyncadd.remote.s32 $0x1  }
0x36: {  	_ =	sfence.sel $0xFFFF  }
0x37: {  	[dreg:$0x0] =	wrdreg $0xFFFFFFFF;
	(pc) =	sbr.abs _section_cstart, $3  }
0x38: {  	[dreg:$0x1] =	wrdreg $0xFFFFFFFF  }
0x39: {  	_ =	task.clear_ibuf [dreg:s7], $0x2FFFF;
	_ =	strace $0x9FFFFFFF  }
0x3a: {  	(tm) =	ssettm $0x7FFFFFFF  }
0x3b: {  	_ =	shalt  }
tec
execute0_lowered:
.L_overlay_start_1:
0x0: {  	(tag) =	ssettag $0x1  }
0x1: {  	s3 =	rddreg [dreg:$0x0]  }
0x2: {  	s2 =	rddreg [dreg:$0x1]  }
0x3: {  	s1 =	srdreg.scid;
	s0 =	rddreg [dreg:$0x2];
	_ =	strace $0x8000004A  }
0x4: {  	s7 =	simm.s32 $0x2;
	s15 =	simm.s32 $0x0;
	p0 =	por $0x0, $0x0  }
0x5: {  	s16 =	simm.s32 $0x0;
	s17 =	simm.s32 $0x0;
	s8 =	simm.s32 $0x0  }
0x6: {  	s10 =	simm.s32 $0x0;
	s11 =	simm.s32 $0x0;
	s12 =	simm.s32 $0x0  }
.Ltmp0:
0x7: {  	s9 =	simm.s32 $0x0;
	s4 =	sshll.u32 s1, $0x4;
	(pc) =	sbr.rel .LBB1_1-.Ltmp0, $4  }
0x8: {  	s1 =	stileid.u32;
	s3 =	sadd.s32 $0x800, s3;
	s4 =	sand.u32 $0x10, s4  }
0x9: {  	s5 =	sand.u32 $0x3, s1;
	s6 =	sor.u32 s1, s4;
	s4 =	simm.s32 $0x1  }
0xa: {  	s14 =	smov.u32 s5;
	[sflag:s4] =	ssyncpa.u1 $0x0;
	s6 =	sshrl.u32 s6, $0x2  }
0xb: {  	[sflag:s7] =	ssyncpa.u1 $0x0;
	s7 =	simm.s32 $0xC00;
	s13 =	smov.u32 s6  }
.LBB1_5:
0xc: {  	p1 =	slt.u32 s9, $0x2;
	s18 =	smov.u32 s17  }
0xd: {  	p2 =	sgt.s32 @!p1 s17, $0x3;
	s19 =	sshra.s32 @!p1 s17, $0x1F;
	s20 =	sshra.s32 @!p1 s16, $0x1F  }
0xe: {  	p2 =	por !p2, p1;
	s17 =	sand.u32 @!p1 s19, s17;
	s19 =	smov.u32 s16  }
0xf: {  	s18 =	simm.s32 @p2 $0x3;
	p2 =	sgt.s32 @!p1 s16, $0x17F;
	s16 =	sand.u32 @!p1 s20, s16  }
0x10: {  	s20 =	sshra.s32 @!p1 s15, $0x1F;
	s17 =	ssub.s32 @!p1 s18, s17;
	p3 =	por !p2, p1  }
0x11: {  	s18 =	sadd.s32 @!p1 $0xFFFFFFFD, s17;
	s19 =	simm.s32 @p3 $0x17F;
	s17 =	ssub.s32 @!p1 $0x4, s17  }
0x12: {  	p3 =	sgt.s32 @!p1 s15, $0x100;
	p2 =	sgt.s32 @!p1 s18, $0x0;
	s16 =	ssub.s32 @!p1 s19, s16  }
0x13: {  	p3 =	por !p3, p1;
	s19 =	smov.u32 s15;
	s15 =	sand.u32 @!p1 s20, s15  }
0x14: {  	s17 =	smul.u32 @!p1 $0x60, s17;
	s18 =	sadd.s32 @!p1 $0xFFFFFE81, s16;
	s19 =	simm.s32 @p3 $0x100  }
0x15: {  	s16 =	ssub.s32 @!p1 $0x180, s16;
	p3 =	sgt.s32 @!p1 s18, $0x0;
	s15 =	ssub.s32 @!p1 s19, s15  }
0x16: {  	p2 =	por !p2, p1;
	p3 =	por !p3, p1;
	s18 =	sadd.s32 @!p1 $0xFFFFFF00, s15  }
0x17: {  	s17 =	simm.s32 @!p2 $0x0;
	s16 =	simm.s32 @!p3 $0x0;
	p3 =	sgt.s32 @!p1 s18, $0x7F  }
0x18: {  	s15 =	ssub.s32 @!p1 $0x180, s15;
	p2 =	por !p3, p1;
	s16 =	smul.u32 @!p1 s16, s17  }
0x19: {  	s19 =	smov.u32 s13;
	s18 =	sadd.s32 $0x80, s12;
	s15 =	simm.s32 @!p2 $0x0  }
0x1a: {  	p2 =	sgt.s32 s18, $0x17F;
	s15 =	smul.u32 @!p1 s15, s16;
	s16 =	sadd.s32 $0x8, s13  }
0x1b: {  	s19 =	smov.u32 @p2 s16  }
0x1c: {  	s21 =	smov.u32 s14;
	s16 =	sadd.s32 $0x4, s14;
	p3 =	sgt.s32 s19, $0x17F  }
0x1d: {  	s9 =	sadd.s32 $0x1, s9;
	p0 =	por !p0, !p0;
	s21 =	smov.u32 @p3 s16  }
0x1e: {  	s20 =	simm.s32 @!p1 $0x2;
	s18 =	simm.s32 @p2 $0x0;
	p2 =	sgt.s32 s21, $0x3  }
0x1f: {  	s17 =	smov.u32 s11;
	s21 =	smov.u32 @p2 s5;
	p2 =	sne.s32 s9, $0x92  }
.Ltmp1:
0x20: {  	s11 =	smov.u32 s14;
	s15 =	sand.u32 @!p1 $0x3FFFFFE0, s15;
	(pc) =	sbr.rel @!p2 .LBB1_6-.Ltmp1, $4  }
0x21: {  	_ =	swait.ge @!p1 [sflag:s20], s15;
	s22 =	ssub.s32 @!p1 $0x0, s15;
	s15 =	smov.u32 s8  }
0x22: {  	s16 =	smov.u32 s10;
	s19 =	smov.u32 @p3 s6;
	s8 =	smov.u32 s12  }
0x23: {  	s10 =	smov.u32 s13;
	s12 =	smov.u32 s18;
	[sflag:s20] =	ssyncset.done @!p1 $0x0  }
0x24: {  	s13 =	smov.u32 s19;
	[sflag:s20] =	ssyncadd.s32 @!p1 s22;
	s14 =	smov.u32 s21  }
.LBB1_1:
0x25: {  	p1 =	sgt.u32 s9, $0x8F  }
0x26: {  	s18 =	sand.u32 @!p1 $0x1FFFFFF, s12  }
0x27: {  	s19 =	smulhi.u32 @!p1 $0xAAAAAB, s18  }
0x28: {  	s20 =	smul.u32 @!p1 $0x240000, s14  }
0x29: {  	s19 =	smul.u32 @!p1 $0x180, s19  }
0x2a: {  	s21 =	smul.u32 @!p1 $0x1800, s13  }
0x2b: {  	s20 =	sadd.s32 @!p1 s3, s20;
	s18 =	ssub.s32 @!p1 s18, s19;
	s19 =	sxor.u32 @!p1 $0xFFFFFFFF, s9  }
0x2c: {  	s20 =	sadd.s32 @!p1 s21, s20;
	s19 =	sshll.u32 @!p1 s19, $0xE;
	s18 =	sshll.u32 @!p1 s18, $0x4  }
0x2d: {  	s19 =	sand.u32 @!p1 $0x4000, s19;
	s18 =	sadd.s32 @!p1 s18, s20;
	s20 =	simm.s32 @!p1 $0x0  }
0x2e: {  	[tilespmem:s19], [sflag:$0x1] =	stream.linear.gather @!p1 [hbm4b:s18+s20], $0x4000, $0x38;
	[tilespmem:$0x10100] =	vst v63  }
0x2f: {  	p1 =	seq.s32 s9, $0x0  }
0x30: {  	p2 =	seq.s32 @!p1 s9, $0x91  }
0x31: {  	p1 =	por p1, p2  }
.Ltmp2:
0x32: {  	_ = 	snop;
	(pc) =	sbr.rel @p1 .LBB1_5-.Ltmp2, $1  }
0x33: {  	_ =	sdelay $0x3  }
0x34: {  	s18 =	simm.s32 $0x1  }
0x35: {  	_ =	swait.ge [sflag:s4], $0x4000;
	s18 =	simm.s32 @!p0 $0x0  }
0x36: {  	[sflag:s4] =	ssyncset.done $0x0;
	s19 =	sshll.u32 s18, $0xE  }
0x37: {  	[sflag:s4] =	ssyncadd.s32 $0xFFFFC000;
	s19 =	sor.u32 $0x40, s19  }
0x38: {  	s18 =	smul.u32 $0x10200, s18;
	v0 =	vld [tilespmem:s19+$0x30]  }
0x39: {  	v1 =	vld [tilespmem:s19+$0xFFFFFFD0]  }
0x3a: {  	s18 =	sshrl.u32 s18, $0x2;
	v5 =	vld [tilespmem:s19+$0xFFFFFFE0]  }
0x3b: {  	v6 =	vld [tilespmem:s19+$0xFFFFFFF0];
	s21 =	sor.u32 $0x8000, s18  }
0x3c: {  	s31 =	sand.u32 $0x1, s9;
	v4 =	vld [tilespmem:s19+$0x0];
	s20 =	sadd.s32 $0x0, s21  }
0x3d: {  	v3 =	vld [tilespmem:s19+$0x10];
	s18 =	smul.u32 $0x10200, s31;
	[tilespmem:s20+$0x3870 ss:$0x81] =	vst.msk $0xffff, v0  }
0x3e: {  	v2 =	vld [tilespmem:s19+$0x20];
	[tilespmem:s20+$0x810 ss:$0x81] =	vst.msk $0xffff, v1  }
0x3f: {  	s18 =	sshrl.u32 s18, $0x2;
	v1 =	vld [tilespmem:s19+$0xFFFFFFC0];
	[tilespmem:s20+$0x1020 ss:$0x81] =	vst.msk $0xffff, v5;
	s19 =	sadd.s32 $0x80, s19  }
0x40: {  	s22 =	simm.s32 $0x4;
	s23 =	simm.s32 $0x8;
	s18 =	sor.u32 $0x8000, s18;
	[tilespmem:s20+$0x1830 ss:$0x81] =	vst.msk $0xffff, v6;
	v0 =	vld [tilespmem:s19+$0x30]  }
.LBB1_3:
0x41: {  	p1 =	sne.s32 s23, $0x1FC;
	v5 =	vld [tilespmem:s19+$0xFFFFFFD0];
	[tilespmem:s20+$0x2040 ss:$0x81] =	vst.msk $0xffff, v4  }
0x42: {  	v6 =	vld [tilespmem:s19+$0xFFFFFFE0];
	[tilespmem:s20+$0x2850 ss:$0x81] =	vst.msk $0xffff, v3  }
0x43: {  	s24 =	sshra.s32 s22, $0x2;
	s22 =	smov.u32 s23;
	v7 =	vld [tilespmem:s19+$0xFFFFFFF0];
	[tilespmem:s20+$0x3060 ss:$0x81] =	vst.msk $0xffff, v2  }
.Ltmp3:
0x44: {  	v4 =	vld [tilespmem:s19+$0x0];
	[tilespmem:s20+$0x0 ss:$0x81] =	vst.msk $0xffff, v1;
	s20 =	sadd.s32 s24, s21;
	(pc) =	sbr.rel @p1 .LBB1_3-.Ltmp3, $4  }
0x45: {  	v3 =	vld [tilespmem:s19+$0x10];
	[tilespmem:s20+$0x3870 ss:$0x81] =	vst.msk $0xffff, v0  }
0x46: {  	[tilespmem:s20+$0x810 ss:$0x81] =	vst.msk $0xffff, v5;
	v2 =	vld [tilespmem:s19+$0x20]  }
0x47: {  	v1 =	vld [tilespmem:s19+$0xFFFFFFC0];
	[tilespmem:s20+$0x1020 ss:$0x81] =	vst.msk $0xffff, v6;
	s19 =	sadd.s32 $0x80, s19  }
0x48: {  	s23 =	sadd.s32 $0x4, s23;
	v0 =	vld [tilespmem:s19+$0x30];
	[tilespmem:s20+$0x1830 ss:$0x81] =	vst.msk $0xffff, v7  }
0x49: {  	s23 =	sshll.u32 s8, $0x3  }
0x4a: {  	s24 =	sand.u32 $0x7F, s8;
	s22 =	sshra.s32 s22, $0x2;
	s23 =	sand.u32 $0xFFFFFC00, s23  }
0x4b: {  	p1 =	sgt.s32 s11, $0x3;
	s24 =	sor.u32 s24, s23;
	s23 =	smulhi.u32 $0xAAAAAAAB, s23  }
0x4c: {  	s26 =	sshra.s32 s11, $0x1F;
	s28 =	sshra.s32 s10, $0x1F;
	s25 =	smulhi.u32 $0xAAAAAAAB, s24  }
0x4d: {  	s21 =	sadd.s32 s22, s21;
	s26 =	sand.u32 s26, s11;
	s28 =	sand.u32 s28, s10  }
0x4e: {  	[tilespmem:s20+$0x2040 ss:$0x81] =	vst.msk $0xffff, v4;
	s23 =	sshrl.u32 s23, $0x8;
	s30 =	sshrl.u32 s25, $0x8;
	s25 =	smov.u32 s11  }
0x4f: {  	[tilespmem:s20+$0x2850 ss:$0x81] =	vst.msk $0xffff, v3;
	s27 =	smulhi.u32 $0x2AAAAAB, s23;
	s25 =	simm.s32 @!p1 $0x3;
	p1 =	sgt.s32 s10, $0x17F  }
0x50: {  	[tilespmem:s20+$0x3060 ss:$0x81] =	vst.msk $0xffff, v2;
	s22 =	smul.u32 $0x180, s30;
	s25 =	ssub.s32 s25, s26;
	s26 =	smov.u32 s10  }
0x51: {  	[tilespmem:s20+$0x0 ss:$0x81] =	vst.msk $0xffff, v1;
	s20 =	smov.u32 s8;
	s27 =	smul.u32 $0x60, s27;
	s26 =	simm.s32 @!p1 $0x17F  }
0x52: {  	v5 =	vld [tilespmem:s19+$0xFFFFFFD0];
	s31 =	sadd.s32 $0xFFFFFFFD, s25;
	s25 =	ssub.s32 $0x4, s25;
	s26 =	ssub.s32 s26, s28  }
0x53: {  	v58 =	vld [tilespmem:s19+$0xFFFFFFE0];
	s30 =	sshra.s32 s8, $0x1F;
	s25 =	smul.u32 $0x60, s25;
	s29 =	sadd.s32 $0xFFFFFE81, s26  }
0x54: {  	v59 =	vld [tilespmem:s19+$0xFFFFFFF0];
	p1 =	sgt.s32 s31, $0x0;
	s26 =	ssub.s32 $0x180, s26;
	p2 =	sgt.s32 s29, $0x0  }
0x55: {  	v60 =	vld [tilespmem:s19+$0x0];
	s25 =	simm.s32 @p1 $0x0;
	s26 =	simm.s32 @p2 $0x0;
	p2 =	sgt.s32 s8, $0x100  }
0x56: {  	v61 =	vld [tilespmem:s19+$0x10];
	[tilespmem:s21+$0x3870 ss:$0x81] =	vst.msk $0xffff, v0;
	s28 =	sand.u32 s30, s8;
	s20 =	simm.s32 @!p2 $0x100;
	s31 =	smul.u32 s26, s25  }
0x57: {  	v62 =	vld [tilespmem:s19+$0x20];
	[tilespmem:s21+$0x810 ss:$0x81] =	vst.msk $0xffff, v5;
	s25 =	ssub.s32 s23, s27;
	s27 =	smul.u32 $0x1B0000, s11;
	s20 =	ssub.s32 s20, s28  }
0x58: {  	v63 =	vld [tilespmem:s19+$0xFFFFFFC0];
	[tilespmem:s21+$0x1020 ss:$0x81] =	vst.msk $0xffff, v58;
	s22 =	ssub.s32 s24, s22;
	s28 =	smul.u32 $0x1200, s10;
	s26 =	sadd.s32 $0xFFFFFF00, s20  }
0x59: {  	[tilespmem:s21+$0x1830 ss:$0x81] =	vst.msk $0xffff, v59;
	s19 =	smul.u32 $0x30, s25;
	s20 =	ssub.s32 $0x180, s20;
	p1 =	sgt.s32 s26, $0x7F  }
.Ltmp4:
0x5a: {  	[tilespmem:s21+$0x2040 ss:$0x81] =	vst.msk $0xffff, v60;
	s25 =	sadd.s32 s2, s27;
	s20 =	simm.s32 @p1 $0x0;
	(pc) =	sbr.rel .LBB1_5-.Ltmp4, $4  }
0x5b: {  	[tilespmem:s21+$0x2850 ss:$0x81] =	vst.msk $0xffff, v61;
	s29 =	sand.u32 $0x7, s22;
	s23 =	sadd.s32 s28, s25;
	s20 =	smul.u32 s20, s31  }
0x5c: {  	[tilespmem:s21+$0x3060 ss:$0x81] =	vst.msk $0xffff, v62;
	s22 =	sshrl.u32 s22, $0x3;
	s30 =	sshll.u32 s29, $0x12;
	s19 =	sadd.s32 s19, s23  }
0x5d: {  	[tilespmem:s21+$0x0 ss:$0x81] =	vst.msk $0xffff, v63;
	s19 =	sadd.s32 s22, s19;
	s31 =	sor.u32 $0x400, s30;
	s20 =	sand.u32 $0x3FFFFFE0, s20  }
0x5e: {  	[hbm4b:s19+s31] =	stream.strided.scatter [tilespmem:s18], [sflag:$0x2], s20, s7, s31, $0x20;
	[tilespmem:$0x10100] =	vst v63  }
.LBB1_6:
0x5f: {  	_ =	sfence.sel $0x180000  }
0x60: {  	s2 =	simm.s32 $0x1;
	[bflag:$0x0] =	sbarrier.arrive $0xFFFF  }
0x61: {  	s31 =	simm.s32 $0x2;
	[sflag:s2] =	ssyncpa.u1 $0x1  }
0x62: {  	[sflag:s31] =	ssyncpa.u1 $0x1  }
0x63: {  	p0 =	sne.s32 s1, $0x0;
	_ =	strace $0x9000004A  }
0x64: {  	s0 =	sadd.s32 @!p0 $0x100000, s0;
	[bflag:$0x2] =	sbarrier.arrive $0xFFFF  }
0x65: {  	[sflag:s0] =	ssyncadd.tile.s32 @!p0 $0x1;
	_ =	shalt  }
.Lfunc_end1:
_tile_overlayer_lowered:
.L_overlay_start_2:
0x66: {  	(tag) =	ssettag $0x2  }
0x67: {  	s0 =	rddreg [dreg:$0x0];
	s2 =	stileid.u32  }
0x68: {  	s1 =	rddreg [dreg:$0x1];
	p0 =	sne.s32 s2, $0x0  }
0x69: {  	s3 =	rddreg [dreg:$0x2];
	[bflag:$0x3] =	sbarrier.arrive $0xFFFF;
	s2 =	simm.s32 @!p0 $0x1C01  }
0x6a: {  	[timem:s3], [sflag:s2] =	dma.local @!p0 [hbm:s0], s1  }
0x6b: {  	s0 =	simm.s32 @!p0 $0x1  }
0x6c: {  	_ =	swait.ge @!p0 [sflag:s0], s1  }
0x6d: {  	s1 =	ssub.s32 @!p0 $0x0, s1;
	[sflag:s0] =	ssyncset.done @!p0 $0x0  }
0x6e: {  	[sflag:s0] =	ssyncadd.s32 @!p0 s1  }
0x6f: {  	[bflag:$0x3] =	sbarrier.arrive $0xFFFF  }
0x70: {  	_ =	shalt  }

</sc_bundles>
